<compile_context>
chip_gen: v7x
topology: tpu7x:2x2x1
jax: 0.10.2.dev20260603
libtpu: 0.0.44.dev20260713+nightly
codegen_flags: <defaults>
</compile_context>

<pallas_src>
import functools

import jax
import jax.numpy as jnp
from jax import lax
from jax.experimental import pallas as pl
from jax.experimental.pallas import tpu as pltpu
from jax.experimental.pallas import tpu_sc as plsc

_VOCAB = 100000
_HID = 768
_MAXS = 2048
_B = 4
_EPS = 1e-12

_NW = 32
_N = _B * _MAXS
_NP = 2
_SW = _MAXS // _NP
_NPW = _NW // _B
_TPW = _SW // _NPW
_C = 64
_NCH = _TPW // _C

_BN = 1024


def _sc_piece_body(piece, full, ids_hbm, tok_hbm, out_hbm,
                   ids0, ids1, buf0, buf1, gsem0, gsem1, wsem0, wsem1):
    wid = lax.axis_index("s") * 2 + lax.axis_index("c")
    b = wid // _NPW
    s = piece * _SW + lax.rem(wid, _NPW) * _TPW
    obase = b * _MAXS + s if full else wid * _TPW
    idbufs = (ids0, ids1)
    bufs = (buf0, buf1)
    gsems = (gsem0, gsem1)
    wsems = (wsem0, wsem1)

    pltpu.sync_copy(ids_hbm.at[b, pl.ds(s, _C)], ids0)
    gathers = [pltpu.async_copy(tok_hbm.at[ids0], buf0, gsem0), None]
    writes = [None, None]
    for g in range(_NCH):
        p = g % 2
        np_ = (g + 1) % 2
        if g + 1 < _NCH:
            if writes[np_] is not None:
                writes[np_].wait()
                writes[np_] = None
            pltpu.sync_copy(ids_hbm.at[b, pl.ds(s + (g + 1) * _C, _C)],
                            idbufs[np_])
            gathers[np_] = pltpu.async_copy(
                tok_hbm.at[idbufs[np_]], bufs[np_], gsems[np_])
        gathers[p].wait()
        writes[p] = pltpu.async_copy(
            bufs[p], out_hbm.at[pl.ds(obase + g * _C, _C)], wsems[p])
    for p in range(2):
        if writes[p] is not None:
            writes[p].wait()


def _ln_block(emb, pos_ref, sid_ref, seg_ref, gam_ref, bet_ref):
    e = emb + pos_ref[...]
    sidf = sid_ref[0].astype(jnp.float32)
    s0 = seg_ref[0:1, :]
    s1 = seg_ref[1:2, :]
    e = e + s0 + sidf.reshape(_BN, 1) * (s1 - s0)
    mean = jnp.mean(e, axis=-1, keepdims=True)
    var = jnp.mean((e - mean) ** 2, axis=-1, keepdims=True)
    normed = (e - mean) * lax.rsqrt(var + _EPS)
    return normed * gam_ref[...].reshape(1, _HID) + bet_ref[...].reshape(1, _HID)


def _tc_ln0_body(emb_ref, pos_ref, sid_ref, seg_ref, gam_ref, bet_ref, out_ref):
    out_ref[...] = _ln_block(emb_ref[...], pos_ref, sid_ref, seg_ref,
                             gam_ref, bet_ref)


def _tc_ln1_body(big_ref, emb_ref, pos_ref, sid_ref, seg_ref, gam_ref, bet_ref,
                 out_ref):
    del big_ref
    out_ref[...] = _ln_block(emb_ref[...], pos_ref, sid_ref, seg_ref,
                             gam_ref, bet_ref)


def _common_specs(piece):
    return [
        pl.BlockSpec((_SW, _HID), lambda g: (piece, 0)),
        pl.BlockSpec((1, 1, _BN), lambda g: (_NP * g + piece, 0, 0)),
        pl.BlockSpec((2, _HID), lambda g: (0, 0)),
        pl.BlockSpec((_HID,), lambda g: (0,)),
        pl.BlockSpec((_HID,), lambda g: (0,)),
    ]


@jax.jit
def _run(input_ids, sid3, token_table, pos_table, seg_table, gamma, beta):
    mesh = plsc.VectorSubcoreMesh(core_axis_name="c", subcore_axis_name="s")
    scratch = [
        pltpu.VMEM((_C,), jnp.int32),
        pltpu.VMEM((_C,), jnp.int32),
        pltpu.VMEM((_C, _HID), jnp.float32),
        pltpu.VMEM((_C, _HID), jnp.float32),
        pltpu.SemaphoreType.DMA,
        pltpu.SemaphoreType.DMA,
        pltpu.SemaphoreType.DMA,
        pltpu.SemaphoreType.DMA,
    ]
    cp = pltpu.CompilerParams(needs_layout_passes=False)

    def gather_piece(piece, full):
        shape = (_N if full else _B * _SW, _HID)
        return pl.kernel(
            functools.partial(_sc_piece_body, piece, full),
            out_type=jax.ShapeDtypeStruct(shape, jnp.float32),
            mesh=mesh, compiler_params=cp, scratch_types=scratch,
        )(input_ids, token_table)

    big = gather_piece(0, True)
    rows1 = gather_piece(1, False)

    big = pl.pallas_call(
        _tc_ln0_body,
        out_shape=jax.ShapeDtypeStruct((_N, _HID), jnp.float32),
        grid=(_B,),
        in_specs=[pl.BlockSpec((_BN, _HID), lambda g: (_NP * g, 0))]
        + _common_specs(0),
        out_specs=pl.BlockSpec((_BN, _HID), lambda g: (_NP * g, 0)),
        input_output_aliases={0: 0},
    )(big, pos_table, sid3, seg_table, gamma, beta)

    out = pl.pallas_call(
        _tc_ln1_body,
        out_shape=jax.ShapeDtypeStruct((_N, _HID), jnp.float32),
        grid=(_B,),
        in_specs=[pl.BlockSpec((8, 128), lambda g: (0, 0)),
                  pl.BlockSpec((_BN, _HID), lambda g: (g, 0))]
        + _common_specs(1),
        out_specs=pl.BlockSpec((_BN, _HID), lambda g: (_NP * g + 1, 0)),
        input_output_aliases={0: 0},
    )(big, rows1, pos_table, sid3, seg_table, gamma, beta)
    return out


def kernel(input_ids, segment_ids, token_table, pos_table, seg_table, gamma, beta):
    sid3 = segment_ids.reshape(_N // _BN, 1, _BN)
    out = _run(input_ids, sid3, token_table, pos_table, seg_table, gamma, beta)
    return out.reshape(_B, _MAXS, _HID)

# --- scband reference (transcript-rebuilt; emitter-appended) ---
"""Pipeline reference for scband-bert-embedding-86912958202597 (READ-ONLY COPY).

The authoritative reference and input builder live on the scoring server;
editing this copy changes nothing except your own understanding.
"""

import jax, jax.numpy as jnp
import numpy as np

VOCAB = 100000
HID = 768
MAXS = 2048
B = 4
NSEG = 2
EPS = 1e-12


def setup_inputs(seed: int = 0) -> dict:
    key = jax.random.key(seed)
    ks = jax.random.split(key, 7)
    input_ids = jax.random.randint(ks[0], (B, MAXS), 0, VOCAB)
    segment_ids = jax.random.randint(ks[1], (B, MAXS), 0, NSEG)
    token_table = jax.random.normal(ks[2], (VOCAB, HID), dtype=jnp.float32) * 0.02
    token_table = token_table.at[0].set(0.0)  # padding_idx=0 row initialized to zeros
    pos_table = jax.random.normal(ks[3], (MAXS, HID), dtype=jnp.float32) * 0.02
    seg_table = jax.random.normal(ks[4], (NSEG, HID), dtype=jnp.float32) * 0.02
    gamma = jnp.ones((HID,), dtype=jnp.float32)
    beta = jnp.zeros((HID,), dtype=jnp.float32)
    return {
        "input_ids": input_ids,
        "segment_ids": segment_ids,
        "token_table": token_table,
        "pos_table": pos_table,
        "seg_table": seg_table,
        "gamma": gamma,
        "beta": beta,
    }


def reference(input_ids, segment_ids, token_table, pos_table, seg_table, gamma, beta):
    # token embedding lookup (gather)
    tok = jnp.take(token_table, input_ids, axis=0)            # [B, S, H]
    seg = jnp.take(seg_table, segment_ids, axis=0)            # [B, S, H]
    pos_ids = jnp.arange(MAXS)[None, :]                        # [1, S] like registered buffer
    pos = jnp.take(pos_table, pos_ids, axis=0)                 # [1, S, H]
    emb = tok + seg + pos
    # LayerNorm (torch uses biased variance), eps=1e-12
    mean = jnp.mean(emb, axis=-1, keepdims=True)
    var = jnp.mean((emb - mean) ** 2, axis=-1, keepdims=True)
    normed = (emb - mean) / jnp.sqrt(var + EPS)
    out = normed * gamma + beta
    # dropout is identity in eval/reference mode
    return out

if __name__ == "__main__":
    import jax
    _d = setup_inputs()
    print(jax.jit(kernel)(*tuple(_d.values())))

</pallas_src>

<mosaic_0001>
#map = affine_map<(d0, d1) -> (0, 0)>
module attributes {stable_mosaic.version = 14 : i64} {
  func.func @_sc_piece_body(%arg0: i32, %arg1: i32, %arg2: memref<4x2048xi32, #tpu.memory_space<hbm>>, %arg3: memref<100000x768xf32, #tpu.memory_space<hbm>>, %arg4: memref<4096x768xf32, #tpu.memory_space<hbm>>, %arg5: memref<64xi32, #tpu.memory_space<vmem>>, %arg6: memref<64xi32, #tpu.memory_space<vmem>>, %arg7: memref<64x768xf32, #tpu.memory_space<vmem>>, %arg8: memref<64x768xf32, #tpu.memory_space<vmem>>, %arg9: memref<!tpu.dma_semaphore, #tpu.memory_space<semaphore_mem>>, %arg10: memref<!tpu.dma_semaphore, #tpu.memory_space<semaphore_mem>>, %arg11: memref<!tpu.dma_semaphore, #tpu.memory_space<semaphore_mem>>, %arg12: memref<!tpu.dma_semaphore, #tpu.memory_space<semaphore_mem>>) attributes {dimension_semantics = [#tpu.dimension_semantics<core_parallel>, #tpu.dimension_semantics<subcore_parallel>], iteration_bounds = array<i64: 2, 16>, scalar_prefetch = 0 : i64, scratch_operands = 8 : i64, tpu.core_type = #tpu.core_type<sc_vector_subcore>, window_params = [{transform_indices = #map}, {transform_indices = #map}, {transform_indices = #map}]} {
    %mul3A = arith.constant 2 : i32
    %mul3A_0 = arith.muli %arg1, %mul3A : i32
    %add3A = arith.addi %mul3A_0, %arg0 : i32
    %jit3A = arith.constant 8 : i32
    %div3A = arith.divsi %add3A, %jit3A : i32
    %sign3A = arith.constant 0 : i32
    %sign3A_1 = arith.cmpi sgt, %add3A, %sign3A : i32
    %sign3A_2 = arith.extui %sign3A_1 : i1 to i32
    %sign3A_3 = arith.constant 0 : i32
    %sign3A_4 = arith.cmpi slt, %add3A, %sign3A_3 : i32
    %sign3A_5 = arith.extui %sign3A_4 : i1 to i32
    %sign3A_6 = arith.subi %sign3A_2, %sign3A_5 : i32
    %sign3A_7 = arith.constant 0 : i32
    %sign3A_8 = arith.cmpi sgt, %jit3A, %sign3A_7 : i32
    %sign3A_9 = arith.extui %sign3A_8 : i1 to i32
    %sign3A_10 = arith.constant 0 : i32
    %sign3A_11 = arith.cmpi slt, %jit3A, %sign3A_10 : i32
    %sign3A_12 = arith.extui %sign3A_11 : i1 to i32
    %sign3A_13 = arith.subi %sign3A_9, %sign3A_12 : i32
    %ne3A = arith.cmpi ne, %sign3A_6, %sign3A_13 : i32
    %rem3A = arith.remsi %add3A, %jit3A : i32
    %ne3A_14 = arith.constant 0 : i32
    %ne3A_15 = arith.cmpi ne, %rem3A, %ne3A_14 : i32
    %and3A = arith.andi %ne3A, %ne3A_15 : i1
    %sub3A = arith.constant 1 : i32
    %sub3A_16 = arith.subi %div3A, %sub3A : i32
    %select_n3A = arith.select %and3A, %sub3A_16, %div3A : i32
    %rem3A_17 = arith.constant 8 : i32
    %rem3A_18 = arith.remsi %add3A, %rem3A_17 : i32
    %mul3A_19 = arith.constant 128 : i32
    %mul3A_20 = arith.muli %rem3A_18, %mul3A_19 : i32
    %add3A_21 = arith.constant 1024 : i32
    %add3A_22 = arith.addi %add3A_21, %mul3A_20 : i32
    %mul3A_23 = arith.constant 128 : i32
    %mul3A_24 = arith.muli %add3A, %mul3A_23 : i32
    "tpu.region"() ({
      %run_scoped3A = tpu.sem_alloc : memref<!tpu.dma_semaphore, #tpu.memory_space<semaphore_mem>>
      %dma_start3A_57 = tpu.memref_slice %arg2[%select_n3A, %add3A_22] : memref<4x2048xi32, #tpu.memory_space<hbm>> -> memref<1x64xi32, #tpu.memory_space<hbm>>
      %dma_start3A_58 = tpu.memref_squeeze %dma_start3A_57 : memref<1x64xi32, #tpu.memory_space<hbm>> -> memref<64xi32, #tpu.memory_space<hbm>>
      %dma_start3A_59 = tpu.memref_slice %arg2[%select_n3A, %add3A_22] : memref<4x2048xi32, #tpu.memory_space<hbm>> -> memref<1x64xi32, #tpu.memory_space<hbm>>
      %dma_start3A_60 = tpu.memref_squeeze %dma_start3A_59 : memref<1x64xi32, #tpu.memory_space<hbm>> -> memref<64xi32, #tpu.memory_space<hbm>>
      tpu.enqueue_dma source(%dma_start3A_60 : memref<64xi32, #tpu.memory_space<hbm>>) target(%arg5 : memref<64xi32, #tpu.memory_space<vmem>>) target_semaphore(%run_scoped3A : memref<!tpu.dma_semaphore, #tpu.memory_space<semaphore_mem>>)
      %dma_wait3A_61 = tpu.memref_slice %arg2[%select_n3A, %add3A_22] : memref<4x2048xi32, #tpu.memory_space<hbm>> -> memref<1x64xi32, #tpu.memory_space<hbm>>
      %dma_wait3A_62 = tpu.memref_squeeze %dma_wait3A_61 : memref<1x64xi32, #tpu.memory_space<hbm>> -> memref<64xi32, #tpu.memory_space<hbm>>
      %dma_wait3A_63 = tpu.memref_slice %arg2[%select_n3A, %add3A_22] : memref<4x2048xi32, #tpu.memory_space<hbm>> -> memref<1x64xi32, #tpu.memory_space<hbm>>
      %dma_wait3A_64 = tpu.memref_squeeze %dma_wait3A_63 : memref<1x64xi32, #tpu.memory_space<hbm>> -> memref<64xi32, #tpu.memory_space<hbm>>
      tpu.wait_dma2 semaphore(%run_scoped3A : memref<!tpu.dma_semaphore, #tpu.memory_space<semaphore_mem>>) src(%dma_wait3A_64 : memref<64xi32, #tpu.memory_space<hbm>>) dst(%arg5 : memref<64xi32, #tpu.memory_space<vmem>>)
      tpu.yield
    }) : () -> ()
    %dma_start3A = arith.constant 0 : i32
    %dma_start3A_25 = arith.constant 0 : i32
    %dma_start3A_26 = tpu.memref_slice %arg3[%dma_start3A, %dma_start3A_25] : memref<100000x768xf32, #tpu.memory_space<hbm>> -> memref<100000x768xf32, #tpu.memory_space<hbm>>
    tpu.enqueue_indirect_dma source(%dma_start3A_26 : memref<100000x768xf32, #tpu.memory_space<hbm>>) target(%arg7 : memref<64x768xf32, #tpu.memory_space<vmem>>) offsets(%arg5 : memref<64xi32, #tpu.memory_space<vmem>>) semaphore(%arg9 : memref<!tpu.dma_semaphore, #tpu.memory_space<semaphore_mem>>)
    %add3A_27 = arith.constant 64 : i32
    %add3A_28 = arith.addi %add3A_22, %add3A_27 : i32
    "tpu.region"() ({
      %run_scoped3A = tpu.sem_alloc : memref<!tpu.dma_semaphore, #tpu.memory_space<semaphore_mem>>
      %dma_start3A_57 = tpu.memref_slice %arg2[%select_n3A, %add3A_28] : memref<4x2048xi32, #tpu.memory_space<hbm>> -> memref<1x64xi32, #tpu.memory_space<hbm>>
      %dma_start3A_58 = tpu.memref_squeeze %dma_start3A_57 : memref<1x64xi32, #tpu.memory_space<hbm>> -> memref<64xi32, #tpu.memory_space<hbm>>
      %dma_start3A_59 = tpu.memref_slice %arg2[%select_n3A, %add3A_28] : memref<4x2048xi32, #tpu.memory_space<hbm>> -> memref<1x64xi32, #tpu.memory_space<hbm>>
      %dma_start3A_60 = tpu.memref_squeeze %dma_start3A_59 : memref<1x64xi32, #tpu.memory_space<hbm>> -> memref<64xi32, #tpu.memory_space<hbm>>
      tpu.enqueue_dma source(%dma_start3A_60 : memref<64xi32, #tpu.memory_space<hbm>>) target(%arg6 : memref<64xi32, #tpu.memory_space<vmem>>) target_semaphore(%run_scoped3A : memref<!tpu.dma_semaphore, #tpu.memory_space<semaphore_mem>>)
      %dma_wait3A_61 = tpu.memref_slice %arg2[%select_n3A, %add3A_28] : memref<4x2048xi32, #tpu.memory_space<hbm>> -> memref<1x64xi32, #tpu.memory_space<hbm>>
      %dma_wait3A_62 = tpu.memref_squeeze %dma_wait3A_61 : memref<1x64xi32, #tpu.memory_space<hbm>> -> memref<64xi32, #tpu.memory_space<hbm>>
      %dma_wait3A_63 = tpu.memref_slice %arg2[%select_n3A, %add3A_28] : memref<4x2048xi32, #tpu.memory_space<hbm>> -> memref<1x64xi32, #tpu.memory_space<hbm>>
      %dma_wait3A_64 = tpu.memref_squeeze %dma_wait3A_63 : memref<1x64xi32, #tpu.memory_space<hbm>> -> memref<64xi32, #tpu.memory_space<hbm>>
      tpu.wait_dma2 semaphore(%run_scoped3A : memref<!tpu.dma_semaphore, #tpu.memory_space<semaphore_mem>>) src(%dma_wait3A_64 : memref<64xi32, #tpu.memory_space<hbm>>) dst(%arg6 : memref<64xi32, #tpu.memory_space<vmem>>)
      tpu.yield
    }) : () -> ()
    %dma_start3A_29 = arith.constant 0 : i32
    %dma_start3A_30 = arith.constant 0 : i32
    %dma_start3A_31 = tpu.memref_slice %arg3[%dma_start3A_29, %dma_start3A_30] : memref<100000x768xf32, #tpu.memory_space<hbm>> -> memref<100000x768xf32, #tpu.memory_space<hbm>>
    tpu.enqueue_indirect_dma source(%dma_start3A_31 : memref<100000x768xf32, #tpu.memory_space<hbm>>) target(%arg8 : memref<64x768xf32, #tpu.memory_space<vmem>>) offsets(%arg6 : memref<64xi32, #tpu.memory_space<vmem>>) semaphore(%arg10 : memref<!tpu.dma_semaphore, #tpu.memory_space<semaphore_mem>>)
    %dma_wait3A = arith.constant 0 : i32
    %dma_wait3A_32 = arith.constant 0 : i32
    %dma_wait3A_33 = tpu.memref_slice %arg3[%dma_wait3A, %dma_wait3A_32] : memref<100000x768xf32, #tpu.memory_space<hbm>> -> memref<100000x768xf32, #tpu.memory_space<hbm>>
    tpu.wait_indirect_dma semaphore(%arg9 : memref<!tpu.dma_semaphore, #tpu.memory_space<semaphore_mem>>) src(%dma_wait3A_33 : memref<100000x768xf32, #tpu.memory_space<hbm>>) dst(%arg7 : memref<64x768xf32, #tpu.memory_space<vmem>>)
    %add3A_34 = arith.constant 0 : i32
    %add3A_35 = arith.addi %mul3A_24, %add3A_34 : i32
    %dma_start3A_36 = arith.constant 0 : i32
    %dma_start3A_37 = tpu.memref_slice %arg4[%add3A_35, %dma_start3A_36] : memref<4096x768xf32, #tpu.memory_space<hbm>> -> memref<64x768xf32, #tpu.memory_space<hbm>>
    %dma_start3A_38 = arith.constant 0 : i32
    %dma_start3A_39 = tpu.memref_slice %arg4[%add3A_35, %dma_start3A_38] : memref<4096x768xf32, #tpu.memory_space<hbm>> -> memref<64x768xf32, #tpu.memory_space<hbm>>
    tpu.enqueue_dma source(%arg7 : memref<64x768xf32, #tpu.memory_space<vmem>>) target(%dma_start3A_39 : memref<64x768xf32, #tpu.memory_space<hbm>>) target_semaphore(%arg11 : memref<!tpu.dma_semaphore, #tpu.memory_space<semaphore_mem>>)
    %dma_wait3A_40 = arith.constant 0 : i32
    %dma_wait3A_41 = arith.constant 0 : i32
    %dma_wait3A_42 = tpu.memref_slice %arg3[%dma_wait3A_40, %dma_wait3A_41] : memref<100000x768xf32, #tpu.memory_space<hbm>> -> memref<100000x768xf32, #tpu.memory_space<hbm>>
    tpu.wait_indirect_dma semaphore(%arg10 : memref<!tpu.dma_semaphore, #tpu.memory_space<semaphore_mem>>) src(%dma_wait3A_42 : memref<100000x768xf32, #tpu.memory_space<hbm>>) dst(%arg8 : memref<64x768xf32, #tpu.memory_space<vmem>>)
    %add3A_43 = arith.constant 64 : i32
    %add3A_44 = arith.addi %mul3A_24, %add3A_43 : i32
    %dma_start3A_45 = arith.constant 0 : i32
    %dma_start3A_46 = tpu.memref_slice %arg4[%add3A_44, %dma_start3A_45] : memref<4096x768xf32, #tpu.memory_space<hbm>> -> memref<64x768xf32, #tpu.memory_space<hbm>>
    %dma_start3A_47 = arith.constant 0 : i32
    %dma_start3A_48 = tpu.memref_slice %arg4[%add3A_44, %dma_start3A_47] : memref<4096x768xf32, #tpu.memory_space<hbm>> -> memref<64x768xf32, #tpu.memory_space<hbm>>
    tpu.enqueue_dma source(%arg8 : memref<64x768xf32, #tpu.memory_space<vmem>>) target(%dma_start3A_48 : memref<64x768xf32, #tpu.memory_space<hbm>>) target_semaphore(%arg12 : memref<!tpu.dma_semaphore, #tpu.memory_space<semaphore_mem>>)
    %dma_wait3A_49 = arith.constant 0 : i32
    %dma_wait3A_50 = tpu.memref_slice %arg4[%add3A_35, %dma_wait3A_49] : memref<4096x768xf32, #tpu.memory_space<hbm>> -> memref<64x768xf32, #tpu.memory_space<hbm>>
    %dma_wait3A_51 = arith.constant 0 : i32
    %dma_wait3A_52 = tpu.memref_slice %arg4[%add3A_35, %dma_wait3A_51] : memref<4096x768xf32, #tpu.memory_space<hbm>> -> memref<64x768xf32, #tpu.memory_space<hbm>>
    tpu.wait_dma2 semaphore(%arg11 : memref<!tpu.dma_semaphore, #tpu.memory_space<semaphore_mem>>) src(%arg7 : memref<64x768xf32, #tpu.memory_space<vmem>>) dst(%dma_wait3A_52 : memref<64x768xf32, #tpu.memory_space<hbm>>)
    %dma_wait3A_53 = arith.constant 0 : i32
    %dma_wait3A_54 = tpu.memref_slice %arg4[%add3A_44, %dma_wait3A_53] : memref<4096x768xf32, #tpu.memory_space<hbm>> -> memref<64x768xf32, #tpu.memory_space<hbm>>
    %dma_wait3A_55 = arith.constant 0 : i32
    %dma_wait3A_56 = tpu.memref_slice %arg4[%add3A_44, %dma_wait3A_55] : memref<4096x768xf32, #tpu.memory_space<hbm>> -> memref<64x768xf32, #tpu.memory_space<hbm>>
    tpu.wait_dma2 semaphore(%arg12 : memref<!tpu.dma_semaphore, #tpu.memory_space<semaphore_mem>>) src(%arg8 : memref<64x768xf32, #tpu.memory_space<vmem>>) dst(%dma_wait3A_56 : memref<64x768xf32, #tpu.memory_space<hbm>>)
    return
  }
}

#map = affine_map<(d0, d1) -> (0, 0)>
module attributes {stable_mosaic.version = 14 : i64} {
  func.func @_sc_piece_body(%arg0: i32, %arg1: i32, %arg2: memref<4x2048xi32, #tpu.memory_space<hbm>>, %arg3: memref<100000x768xf32, #tpu.memory_space<hbm>>, %arg4: memref<8192x768xf32, #tpu.memory_space<hbm>>, %arg5: memref<64xi32, #tpu.memory_space<vmem>>, %arg6: memref<64xi32, #tpu.memory_space<vmem>>, %arg7: memref<64x768xf32, #tpu.memory_space<vmem>>, %arg8: memref<64x768xf32, #tpu.memory_space<vmem>>, %arg9: memref<!tpu.dma_semaphore, #tpu.memory_space<semaphore_mem>>, %arg10: memref<!tpu.dma_semaphore, #tpu.memory_space<semaphore_mem>>, %arg11: memref<!tpu.dma_semaphore, #tpu.memory_space<semaphore_mem>>, %arg12: memref<!tpu.dma_semaphore, #tpu.memory_space<semaphore_mem>>) attributes {dimension_semantics = [#tpu.dimension_semantics<core_parallel>, #tpu.dimension_semantics<subcore_parallel>], iteration_bounds = array<i64: 2, 16>, scalar_prefetch = 0 : i64, scratch_operands = 8 : i64, tpu.core_type = #tpu.core_type<sc_vector_subcore>, window_params = [{transform_indices = #map}, {transform_indices = #map}, {transform_indices = #map}]} {
    %mul3A = arith.constant 2 : i32
    %mul3A_0 = arith.muli %arg1, %mul3A : i32
    %add3A = arith.addi %mul3A_0, %arg0 : i32
    %jit3A = arith.constant 8 : i32
    %div3A = arith.divsi %add3A, %jit3A : i32
    %sign3A = arith.constant 0 : i32
    %sign3A_1 = arith.cmpi sgt, %add3A, %sign3A : i32
    %sign3A_2 = arith.extui %sign3A_1 : i1 to i32
    %sign3A_3 = arith.constant 0 : i32
    %sign3A_4 = arith.cmpi slt, %add3A, %sign3A_3 : i32
    %sign3A_5 = arith.extui %sign3A_4 : i1 to i32
    %sign3A_6 = arith.subi %sign3A_2, %sign3A_5 : i32
    %sign3A_7 = arith.constant 0 : i32
    %sign3A_8 = arith.cmpi sgt, %jit3A, %sign3A_7 : i32
    %sign3A_9 = arith.extui %sign3A_8 : i1 to i32
    %sign3A_10 = arith.constant 0 : i32
    %sign3A_11 = arith.cmpi slt, %jit3A, %sign3A_10 : i32
    %sign3A_12 = arith.extui %sign3A_11 : i1 to i32
    %sign3A_13 = arith.subi %sign3A_9, %sign3A_12 : i32
    %ne3A = arith.cmpi ne, %sign3A_6, %sign3A_13 : i32
    %rem3A = arith.remsi %add3A, %jit3A : i32
    %ne3A_14 = arith.constant 0 : i32
    %ne3A_15 = arith.cmpi ne, %rem3A, %ne3A_14 : i32
    %and3A = arith.andi %ne3A, %ne3A_15 : i1
    %sub3A = arith.constant 1 : i32
    %sub3A_16 = arith.subi %div3A, %sub3A : i32
    %select_n3A = arith.select %and3A, %sub3A_16, %div3A : i32
    %rem3A_17 = arith.constant 8 : i32
    %rem3A_18 = arith.remsi %add3A, %rem3A_17 : i32
    %mul3A_19 = arith.constant 128 : i32
    %mul3A_20 = arith.muli %rem3A_18, %mul3A_19 : i32
    %add3A_21 = arith.constant 0 : i32
    %add3A_22 = arith.addi %add3A_21, %mul3A_20 : i32
    %mul3A_23 = arith.constant 2048 : i32
    %mul3A_24 = arith.muli %select_n3A, %mul3A_23 : i32
    %add3A_25 = arith.addi %mul3A_24, %add3A_22 : i32
    "tpu.region"() ({
      %run_scoped3A = tpu.sem_alloc : memref<!tpu.dma_semaphore, #tpu.memory_space<semaphore_mem>>
      %dma_start3A_58 = tpu.memref_slice %arg2[%select_n3A, %add3A_22] : memref<4x2048xi32, #tpu.memory_space<hbm>> -> memref<1x64xi32, #tpu.memory_space<hbm>>
      %dma_start3A_59 = tpu.memref_squeeze %dma_start3A_58 : memref<1x64xi32, #tpu.memory_space<hbm>> -> memref<64xi32, #tpu.memory_space<hbm>>
      %dma_start3A_60 = tpu.memref_slice %arg2[%select_n3A, %add3A_22] : memref<4x2048xi32, #tpu.memory_space<hbm>> -> memref<1x64xi32, #tpu.memory_space<hbm>>
      %dma_start3A_61 = tpu.memref_squeeze %dma_start3A_60 : memref<1x64xi32, #tpu.memory_space<hbm>> -> memref<64xi32, #tpu.memory_space<hbm>>
      tpu.enqueue_dma source(%dma_start3A_61 : memref<64xi32, #tpu.memory_space<hbm>>) target(%arg5 : memref<64xi32, #tpu.memory_space<vmem>>) target_semaphore(%run_scoped3A : memref<!tpu.dma_semaphore, #tpu.memory_space<semaphore_mem>>)
      %dma_wait3A_62 = tpu.memref_slice %arg2[%select_n3A, %add3A_22] : memref<4x2048xi32, #tpu.memory_space<hbm>> -> memref<1x64xi32, #tpu.memory_space<hbm>>
      %dma_wait3A_63 = tpu.memref_squeeze %dma_wait3A_62 : memref<1x64xi32, #tpu.memory_space<hbm>> -> memref<64xi32, #tpu.memory_space<hbm>>
      %dma_wait3A_64 = tpu.memref_slice %arg2[%select_n3A, %add3A_22] : memref<4x2048xi32, #tpu.memory_space<hbm>> -> memref<1x64xi32, #tpu.memory_space<hbm>>
      %dma_wait3A_65 = tpu.memref_squeeze %dma_wait3A_64 : memref<1x64xi32, #tpu.memory_space<hbm>> -> memref<64xi32, #tpu.memory_space<hbm>>
      tpu.wait_dma2 semaphore(%run_scoped3A : memref<!tpu.dma_semaphore, #tpu.memory_space<semaphore_mem>>) src(%dma_wait3A_65 : memref<64xi32, #tpu.memory_space<hbm>>) dst(%arg5 : memref<64xi32, #tpu.memory_space<vmem>>)
      tpu.yield
    }) : () -> ()
    %dma_start3A = arith.constant 0 : i32
    %dma_start3A_26 = arith.constant 0 : i32
    %dma_start3A_27 = tpu.memref_slice %arg3[%dma_start3A, %dma_start3A_26] : memref<100000x768xf32, #tpu.memory_space<hbm>> -> memref<100000x768xf32, #tpu.memory_space<hbm>>
    tpu.enqueue_indirect_dma source(%dma_start3A_27 : memref<100000x768xf32, #tpu.memory_space<hbm>>) target(%arg7 : memref<64x768xf32, #tpu.memory_space<vmem>>) offsets(%arg5 : memref<64xi32, #tpu.memory_space<vmem>>) semaphore(%arg9 : memref<!tpu.dma_semaphore, #tpu.memory_space<semaphore_mem>>)
    %add3A_28 = arith.constant 64 : i32
    %add3A_29 = arith.addi %add3A_22, %add3A_28 : i32
    "tpu.region"() ({
      %run_scoped3A = tpu.sem_alloc : memref<!tpu.dma_semaphore, #tpu.memory_space<semaphore_mem>>
      %dma_start3A_58 = tpu.memref_slice %arg2[%select_n3A, %add3A_29] : memref<4x2048xi32, #tpu.memory_space<hbm>> -> memref<1x64xi32, #tpu.memory_space<hbm>>
      %dma_start3A_59 = tpu.memref_squeeze %dma_start3A_58 : memref<1x64xi32, #tpu.memory_space<hbm>> -> memref<64xi32, #tpu.memory_space<hbm>>
      %dma_start3A_60 = tpu.memref_slice %arg2[%select_n3A, %add3A_29] : memref<4x2048xi32, #tpu.memory_space<hbm>> -> memref<1x64xi32, #tpu.memory_space<hbm>>
      %dma_start3A_61 = tpu.memref_squeeze %dma_start3A_60 : memref<1x64xi32, #tpu.memory_space<hbm>> -> memref<64xi32, #tpu.memory_space<hbm>>
      tpu.enqueue_dma source(%dma_start3A_61 : memref<64xi32, #tpu.memory_space<hbm>>) target(%arg6 : memref<64xi32, #tpu.memory_space<vmem>>) target_semaphore(%run_scoped3A : memref<!tpu.dma_semaphore, #tpu.memory_space<semaphore_mem>>)
      %dma_wait3A_62 = tpu.memref_slice %arg2[%select_n3A, %add3A_29] : memref<4x2048xi32, #tpu.memory_space<hbm>> -> memref<1x64xi32, #tpu.memory_space<hbm>>
      %dma_wait3A_63 = tpu.memref_squeeze %dma_wait3A_62 : memref<1x64xi32, #tpu.memory_space<hbm>> -> memref<64xi32, #tpu.memory_space<hbm>>
      %dma_wait3A_64 = tpu.memref_slice %arg2[%select_n3A, %add3A_29] : memref<4x2048xi32, #tpu.memory_space<hbm>> -> memref<1x64xi32, #tpu.memory_space<hbm>>
      %dma_wait3A_65 = tpu.memref_squeeze %dma_wait3A_64 : memref<1x64xi32, #tpu.memory_space<hbm>> -> memref<64xi32, #tpu.memory_space<hbm>>
      tpu.wait_dma2 semaphore(%run_scoped3A : memref<!tpu.dma_semaphore, #tpu.memory_space<semaphore_mem>>) src(%dma_wait3A_65 : memref<64xi32, #tpu.memory_space<hbm>>) dst(%arg6 : memref<64xi32, #tpu.memory_space<vmem>>)
      tpu.yield
    }) : () -> ()
    %dma_start3A_30 = arith.constant 0 : i32
    %dma_start3A_31 = arith.constant 0 : i32
    %dma_start3A_32 = tpu.memref_slice %arg3[%dma_start3A_30, %dma_start3A_31] : memref<100000x768xf32, #tpu.memory_space<hbm>> -> memref<100000x768xf32, #tpu.memory_space<hbm>>
    tpu.enqueue_indirect_dma source(%dma_start3A_32 : memref<100000x768xf32, #tpu.memory_space<hbm>>) target(%arg8 : memref<64x768xf32, #tpu.memory_space<vmem>>) offsets(%arg6 : memref<64xi32, #tpu.memory_space<vmem>>) semaphore(%arg10 : memref<!tpu.dma_semaphore, #tpu.memory_space<semaphore_mem>>)
    %dma_wait3A = arith.constant 0 : i32
    %dma_wait3A_33 = arith.constant 0 : i32
    %dma_wait3A_34 = tpu.memref_slice %arg3[%dma_wait3A, %dma_wait3A_33] : memref<100000x768xf32, #tpu.memory_space<hbm>> -> memref<100000x768xf32, #tpu.memory_space<hbm>>
    tpu.wait_indirect_dma semaphore(%arg9 : memref<!tpu.dma_semaphore, #tpu.memory_space<semaphore_mem>>) src(%dma_wait3A_34 : memref<100000x768xf32, #tpu.memory_space<hbm>>) dst(%arg7 : memref<64x768xf32, #tpu.memory_space<vmem>>)
    %add3A_35 = arith.constant 0 : i32
    %add3A_36 = arith.addi %add3A_25, %add3A_35 : i32
    %dma_start3A_37 = arith.constant 0 : i32
    %dma_start3A_38 = tpu.memref_slice %arg4[%add3A_36, %dma_start3A_37] : memref<8192x768xf32, #tpu.memory_space<hbm>> -> memref<64x768xf32, #tpu.memory_space<hbm>>
    %dma_start3A_39 = arith.constant 0 : i32
    %dma_start3A_40 = tpu.memref_slice %arg4[%add3A_36, %dma_start3A_39] : memref<8192x768xf32, #tpu.memory_space<hbm>> -> memref<64x768xf32, #tpu.memory_space<hbm>>
    tpu.enqueue_dma source(%arg7 : memref<64x768xf32, #tpu.memory_space<vmem>>) target(%dma_start3A_40 : memref<64x768xf32, #tpu.memory_space<hbm>>) target_semaphore(%arg11 : memref<!tpu.dma_semaphore, #tpu.memory_space<semaphore_mem>>)
    %dma_wait3A_41 = arith.constant 0 : i32
    %dma_wait3A_42 = arith.constant 0 : i32
    %dma_wait3A_43 = tpu.memref_slice %arg3[%dma_wait3A_41, %dma_wait3A_42] : memref<100000x768xf32, #tpu.memory_space<hbm>> -> memref<100000x768xf32, #tpu.memory_space<hbm>>
    tpu.wait_indirect_dma semaphore(%arg10 : memref<!tpu.dma_semaphore, #tpu.memory_space<semaphore_mem>>) src(%dma_wait3A_43 : memref<100000x768xf32, #tpu.memory_space<hbm>>) dst(%arg8 : memref<64x768xf32, #tpu.memory_space<vmem>>)
    %add3A_44 = arith.constant 64 : i32
    %add3A_45 = arith.addi %add3A_25, %add3A_44 : i32
    %dma_start3A_46 = arith.constant 0 : i32
    %dma_start3A_47 = tpu.memref_slice %arg4[%add3A_45, %dma_start3A_46] : memref<8192x768xf32, #tpu.memory_space<hbm>> -> memref<64x768xf32, #tpu.memory_space<hbm>>
    %dma_start3A_48 = arith.constant 0 : i32
    %dma_start3A_49 = tpu.memref_slice %arg4[%add3A_45, %dma_start3A_48] : memref<8192x768xf32, #tpu.memory_space<hbm>> -> memref<64x768xf32, #tpu.memory_space<hbm>>
    tpu.enqueue_dma source(%arg8 : memref<64x768xf32, #tpu.memory_space<vmem>>) target(%dma_start3A_49 : memref<64x768xf32, #tpu.memory_space<hbm>>) target_semaphore(%arg12 : memref<!tpu.dma_semaphore, #tpu.memory_space<semaphore_mem>>)
    %dma_wait3A_50 = arith.constant 0 : i32
    %dma_wait3A_51 = tpu.memref_slice %arg4[%add3A_36, %dma_wait3A_50] : memref<8192x768xf32, #tpu.memory_space<hbm>> -> memref<64x768xf32, #tpu.memory_space<hbm>>
    %dma_wait3A_52 = arith.constant 0 : i32
    %dma_wait3A_53 = tpu.memref_slice %arg4[%add3A_36, %dma_wait3A_52] : memref<8192x768xf32, #tpu.memory_space<hbm>> -> memref<64x768xf32, #tpu.memory_space<hbm>>
    tpu.wait_dma2 semaphore(%arg11 : memref<!tpu.dma_semaphore, #tpu.memory_space<semaphore_mem>>) src(%arg7 : memref<64x768xf32, #tpu.memory_space<vmem>>) dst(%dma_wait3A_53 : memref<64x768xf32, #tpu.memory_space<hbm>>)
    %dma_wait3A_54 = arith.constant 0 : i32
    %dma_wait3A_55 = tpu.memref_slice %arg4[%add3A_45, %dma_wait3A_54] : memref<8192x768xf32, #tpu.memory_space<hbm>> -> memref<64x768xf32, #tpu.memory_space<hbm>>
    %dma_wait3A_56 = arith.constant 0 : i32
    %dma_wait3A_57 = tpu.memref_slice %arg4[%add3A_45, %dma_wait3A_56] : memref<8192x768xf32, #tpu.memory_space<hbm>> -> memref<64x768xf32, #tpu.memory_space<hbm>>
    tpu.wait_dma2 semaphore(%arg12 : memref<!tpu.dma_semaphore, #tpu.memory_space<semaphore_mem>>) src(%arg8 : memref<64x768xf32, #tpu.memory_space<vmem>>) dst(%dma_wait3A_57 : memref<64x768xf32, #tpu.memory_space<hbm>>)
    return
  }
}

module attributes {stable_mosaic.version = 14 : i64} {
  func.func @_tc_ln0_body(%arg0: i32, %arg1: memref<1024x768xf32, #tpu.memory_space<vmem>>, %arg2: memref<1024x768xf32, #tpu.memory_space<vmem>>, %arg3: memref<1x1x1024xi32, #tpu.memory_space<vmem>>, %arg4: memref<2x768xf32, #tpu.memory_space<vmem>>, %arg5: memref<768xf32, #tpu.memory_space<vmem>>, %arg6: memref<768xf32, #tpu.memory_space<vmem>>, %arg7: memref<1024x768xf32, #tpu.memory_space<vmem>>) attributes {dimension_semantics = [#tpu.dimension_semantics<arbitrary>], iteration_bounds = array<i64: 4>, scalar_prefetch = 0 : i64, scratch_operands = 0 : i64, tpu.core_type = #tpu.core_type<tc>, window_params = [{transform_indices = @transform_0, window_bounds = array<i64: 1024, 768>}, {transform_indices = @transform_1, window_bounds = array<i64: 1024, 768>}, {transform_indices = @transform_2, window_bounds = array<i64: 1, 1, 1024>}, {pipeline_mode = #tpu.pipeline_mode<synchronous>, transform_indices = @transform_3, window_bounds = array<i64: 2, 768>}, {pipeline_mode = #tpu.pipeline_mode<synchronous>, transform_indices = @transform_4, window_bounds = array<i64: 768>}, {pipeline_mode = #tpu.pipeline_mode<synchronous>, transform_indices = @transform_5, window_bounds = array<i64: 768>}, {transform_indices = @transform_6, window_bounds = array<i64: 1024, 768>}]} {
    %get3A = arith.constant 0 : index
    %get3A_0 = arith.constant 0 : index
    %get3A_1 = vector.load %arg1[%get3A, %get3A_0] : memref<1024x768xf32, #tpu.memory_space<vmem>>, vector<1024x768xf32>
    %get3A_2 = arith.constant 0 : index
    %get3A_3 = arith.constant 0 : index
    %get3A_4 = vector.load %arg2[%get3A_2, %get3A_3] : memref<1024x768xf32, #tpu.memory_space<vmem>>, vector<1024x768xf32>
    %add3A = arith.addf %get3A_1, %get3A_4 : vector<1024x768xf32>
    %get3A_5 = arith.constant 0 : index
    %get3A_6 = arith.constant 0 : index
    %get3A_7 = arith.constant 0 : index
    %get3A_8 = vector.load %arg3[%get3A_5, %get3A_6, %get3A_7] : memref<1x1x1024xi32, #tpu.memory_space<vmem>>, vector<1x1x1024xi32>
    %get3A_9 = vector.shape_cast %get3A_8 : vector<1x1x1024xi32> to vector<1x1024xi32>
    %convert_element_type3A = arith.sitofp %get3A_9 : vector<1x1024xi32> to vector<1x1024xf32>
    %get3A_10 = arith.constant 0 : index
    %get3A_11 = arith.constant 0 : index
    %get3A_12 = vector.load %arg4[%get3A_10, %get3A_11] : memref<2x768xf32, #tpu.memory_space<vmem>>, vector<1x768xf32>
    %get3A_13 = arith.constant 1 : index
    %get3A_14 = arith.constant 0 : index
    %get3A_15 = vector.load %arg4[%get3A_13, %get3A_14] : memref<2x768xf32, #tpu.memory_space<vmem>>, vector<1x768xf32>
    %add3A_16 = vector.broadcast %get3A_12 : vector<1x768xf32> to vector<1024x768xf32>
    %add3A_17 = arith.addf %add3A, %add3A_16 : vector<1024x768xf32>
    %reshape3A = vector.shape_cast %convert_element_type3A : vector<1x1024xf32> to vector<1024x1xf32>
    %sub3A = arith.subf %get3A_15, %get3A_12 : vector<1x768xf32>
    %mul3A = vector.broadcast %reshape3A : vector<1024x1xf32> to vector<1024x768xf32>
    %mul3A_18 = vector.broadcast %sub3A : vector<1x768xf32> to vector<1024x768xf32>
    %mul3A_19 = arith.mulf %mul3A, %mul3A_18 : vector<1024x768xf32>
    %add3A_20 = arith.addf %add3A_17, %mul3A_19 : vector<1024x768xf32>
    %reduce_sum3A = arith.constant dense<0.000000e+00> : vector<1024xf32>
    %reduce_sum3A_21 = vector.multi_reduction <add>, %add3A_20, %reduce_sum3A [1] : vector<1024x768xf32> to vector<1024xf32>
    %broadcast_in_dim3A = vector.shape_cast %reduce_sum3A_21 : vector<1024xf32> to vector<1024x1xf32>
    %div3A = arith.constant 7.680000e+02 : f32
    %div3A_22 = vector.broadcast %div3A : f32 to vector<1024x1xf32>
    %div3A_23 = arith.divf %broadcast_in_dim3A, %div3A_22 : vector<1024x1xf32>
    %sub3A_24 = vector.broadcast %div3A_23 : vector<1024x1xf32> to vector<1024x768xf32>
    %sub3A_25 = arith.subf %add3A_20, %sub3A_24 : vector<1024x768xf32>
    %integer_pow3A = arith.mulf %sub3A_25, %sub3A_25 : vector<1024x768xf32>
    %reduce_sum3A_26 = arith.constant dense<0.000000e+00> : vector<1024xf32>
    %reduce_sum3A_27 = vector.multi_reduction <add>, %integer_pow3A, %reduce_sum3A_26 [1] : vector<1024x768xf32> to vector<1024xf32>
    %broadcast_in_dim3A_28 = vector.shape_cast %reduce_sum3A_27 : vector<1024xf32> to vector<1024x1xf32>
    %div3A_29 = arith.constant 7.680000e+02 : f32
    %div3A_30 = vector.broadcast %div3A_29 : f32 to vector<1024x1xf32>
    %div3A_31 = arith.divf %broadcast_in_dim3A_28, %div3A_30 : vector<1024x1xf32>
    %sub3A_32 = vector.broadcast %div3A_23 : vector<1024x1xf32> to vector<1024x768xf32>
    %sub3A_33 = arith.subf %add3A_20, %sub3A_32 : vector<1024x768xf32>
    %add3A_34 = arith.constant 9.99999996E-13 : f32
    %add3A_35 = vector.broadcast %add3A_34 : f32 to vector<1024x1xf32>
    %add3A_36 = arith.addf %div3A_31, %add3A_35 : vector<1024x1xf32>
    %rsqrt3A = math.rsqrt %add3A_36 : vector<1024x1xf32>
    %mul3A_37 = vector.broadcast %rsqrt3A : vector<1024x1xf32> to vector<1024x768xf32>
    %mul3A_38 = arith.mulf %sub3A_33, %mul3A_37 : vector<1024x768xf32>
    %get3A_39 = arith.constant 0 : index
    %get3A_40 = vector.load %arg5[%get3A_39] : memref<768xf32, #tpu.memory_space<vmem>>, vector<768xf32>
    %reshape3A_41 = vector.shape_cast %get3A_40 : vector<768xf32> to vector<1x768xf32>
    %mul3A_42 = vector.broadcast %reshape3A_41 : vector<1x768xf32> to vector<1024x768xf32>
    %mul3A_43 = arith.mulf %mul3A_38, %mul3A_42 : vector<1024x768xf32>
    %get3A_44 = arith.constant 0 : index
    %get3A_45 = vector.load %arg6[%get3A_44] : memref<768xf32, #tpu.memory_space<vmem>>, vector<768xf32>
    %reshape3A_46 = vector.shape_cast %get3A_45 : vector<768xf32> to vector<1x768xf32>
    %add3A_47 = vector.broadcast %reshape3A_46 : vector<1x768xf32> to vector<1024x768xf32>
    %add3A_48 = arith.addf %mul3A_43, %add3A_47 : vector<1024x768xf32>
    %swap3A = arith.constant 0 : index
    %swap3A_49 = arith.constant 0 : index
    %swap3A_50 = vector.load %arg7[%swap3A, %swap3A_49] : memref<1024x768xf32, #tpu.memory_space<vmem>>, vector<1024x768xf32>
    tpu.vector_store %arg7[%swap3A, %swap3A_49], %add3A_48 {strides = array<i32>} : memref<1024x768xf32, #tpu.memory_space<vmem>>, vector<1024x768xf32>,
    return
  }
  func.func @transform_0(%arg0: i32) -> (i32, i32) {
    %mul3A = arith.constant 2 : i32
    %mul3A_0 = arith.muli %mul3A, %arg0 : i32
    %c0_i32 = arith.constant 0 : i32
    %c0_i32_1 = arith.constant 0 : i32
    return %mul3A_0, %c0_i32 : i32, i32
  }
  func.func @transform_1(%arg0: i32) -> (i32, i32) {
    %c0_i32 = arith.constant 0 : i32
    %c0_i32_0 = arith.constant 0 : i32
    %c0_i32_1 = arith.constant 0 : i32
    return %c0_i32, %c0_i32_0 : i32, i32
  }
  func.func @transform_2(%arg0: i32) -> (i32, i32, i32) {
    %mul3A = arith.constant 2 : i32
    %mul3A_0 = arith.muli %mul3A, %arg0 : i32
    %add3A = arith.constant 0 : i32
    %add3A_1 = arith.addi %mul3A_0, %add3A : i32
    %c0_i32 = arith.constant 0 : i32
    %c0_i32_2 = arith.constant 0 : i32
    %c0_i32_3 = arith.constant 0 : i32
    return %add3A_1, %c0_i32, %c0_i32_2 : i32, i32, i32
  }
  func.func @transform_3(%arg0: i32) -> (i32, i32) {
    %c0_i32 = arith.constant 0 : i32
    %c0_i32_0 = arith.constant 0 : i32
    %c0_i32_1 = arith.constant 0 : i32
    return %c0_i32, %c0_i32_0 : i32, i32
  }
  func.func @transform_4(%arg0: i32) -> i32 {
    %c0_i32 = arith.constant 0 : i32
    %c0_i32_0 = arith.constant 0 : i32
    return %c0_i32 : i32
  }
  func.func @transform_5(%arg0: i32) -> i32 {
    %c0_i32 = arith.constant 0 : i32
    %c0_i32_0 = arith.constant 0 : i32
    return %c0_i32 : i32
  }
  func.func @transform_6(%arg0: i32) -> (i32, i32) {
    %mul3A = arith.constant 2 : i32
    %mul3A_0 = arith.muli %mul3A, %arg0 : i32
    %c0_i32 = arith.constant 0 : i32
    %c0_i32_1 = arith.constant 0 : i32
    return %mul3A_0, %c0_i32 : i32, i32
  }
}

module attributes {stable_mosaic.version = 14 : i64} {
  func.func @_tc_ln1_body(%arg0: i32, %arg1: memref<8x128xf32, #tpu.memory_space<vmem>>, %arg2: memref<1024x768xf32, #tpu.memory_space<vmem>>, %arg3: memref<1024x768xf32, #tpu.memory_space<vmem>>, %arg4: memref<1x1x1024xi32, #tpu.memory_space<vmem>>, %arg5: memref<2x768xf32, #tpu.memory_space<vmem>>, %arg6: memref<768xf32, #tpu.memory_space<vmem>>, %arg7: memref<768xf32, #tpu.memory_space<vmem>>, %arg8: memref<1024x768xf32, #tpu.memory_space<vmem>>) attributes {dimension_semantics = [#tpu.dimension_semantics<arbitrary>], iteration_bounds = array<i64: 4>, scalar_prefetch = 0 : i64, scratch_operands = 0 : i64, tpu.core_type = #tpu.core_type<tc>, window_params = [{transform_indices = @transform_0, window_bounds = array<i64: 8, 128>}, {transform_indices = @transform_1, window_bounds = array<i64: 1024, 768>}, {transform_indices = @transform_2, window_bounds = array<i64: 1024, 768>}, {transform_indices = @transform_3, window_bounds = array<i64: 1, 1, 1024>}, {pipeline_mode = #tpu.pipeline_mode<synchronous>, transform_indices = @transform_4, window_bounds = array<i64: 2, 768>}, {pipeline_mode = #tpu.pipeline_mode<synchronous>, transform_indices = @transform_5, window_bounds = array<i64: 768>}, {pipeline_mode = #tpu.pipeline_mode<synchronous>, transform_indices = @transform_6, window_bounds = array<i64: 768>}, {transform_indices = @transform_7, window_bounds = array<i64: 1024, 768>}]} {
    %get3A = arith.constant 0 : index
    %get3A_0 = arith.constant 0 : index
    %get3A_1 = vector.load %arg2[%get3A, %get3A_0] : memref<1024x768xf32, #tpu.memory_space<vmem>>, vector<1024x768xf32>
    %get3A_2 = arith.constant 0 : index
    %get3A_3 = arith.constant 0 : index
    %get3A_4 = vector.load %arg3[%get3A_2, %get3A_3] : memref<1024x768xf32, #tpu.memory_space<vmem>>, vector<1024x768xf32>
    %add3A = arith.addf %get3A_1, %get3A_4 : vector<1024x768xf32>
    %get3A_5 = arith.constant 0 : index
    %get3A_6 = arith.constant 0 : index
    %get3A_7 = arith.constant 0 : index
    %get3A_8 = vector.load %arg4[%get3A_5, %get3A_6, %get3A_7] : memref<1x1x1024xi32, #tpu.memory_space<vmem>>, vector<1x1x1024xi32>
    %get3A_9 = vector.shape_cast %get3A_8 : vector<1x1x1024xi32> to vector<1x1024xi32>
    %convert_element_type3A = arith.sitofp %get3A_9 : vector<1x1024xi32> to vector<1x1024xf32>
    %get3A_10 = arith.constant 0 : index
    %get3A_11 = arith.constant 0 : index
    %get3A_12 = vector.load %arg5[%get3A_10, %get3A_11] : memref<2x768xf32, #tpu.memory_space<vmem>>, vector<1x768xf32>
    %get3A_13 = arith.constant 1 : index
    %get3A_14 = arith.constant 0 : index
    %get3A_15 = vector.load %arg5[%get3A_13, %get3A_14] : memref<2x768xf32, #tpu.memory_space<vmem>>, vector<1x768xf32>
    %add3A_16 = vector.broadcast %get3A_12 : vector<1x768xf32> to vector<1024x768xf32>
    %add3A_17 = arith.addf %add3A, %add3A_16 : vector<1024x768xf32>
    %reshape3A = vector.shape_cast %convert_element_type3A : vector<1x1024xf32> to vector<1024x1xf32>
    %sub3A = arith.subf %get3A_15, %get3A_12 : vector<1x768xf32>
    %mul3A = vector.broadcast %reshape3A : vector<1024x1xf32> to vector<1024x768xf32>
    %mul3A_18 = vector.broadcast %sub3A : vector<1x768xf32> to vector<1024x768xf32>
    %mul3A_19 = arith.mulf %mul3A, %mul3A_18 : vector<1024x768xf32>
    %add3A_20 = arith.addf %add3A_17, %mul3A_19 : vector<1024x768xf32>
    %reduce_sum3A = arith.constant dense<0.000000e+00> : vector<1024xf32>
    %reduce_sum3A_21 = vector.multi_reduction <add>, %add3A_20, %reduce_sum3A [1] : vector<1024x768xf32> to vector<1024xf32>
    %broadcast_in_dim3A = vector.shape_cast %reduce_sum3A_21 : vector<1024xf32> to vector<1024x1xf32>
    %div3A = arith.constant 7.680000e+02 : f32
    %div3A_22 = vector.broadcast %div3A : f32 to vector<1024x1xf32>
    %div3A_23 = arith.divf %broadcast_in_dim3A, %div3A_22 : vector<1024x1xf32>
    %sub3A_24 = vector.broadcast %div3A_23 : vector<1024x1xf32> to vector<1024x768xf32>
    %sub3A_25 = arith.subf %add3A_20, %sub3A_24 : vector<1024x768xf32>
    %integer_pow3A = arith.mulf %sub3A_25, %sub3A_25 : vector<1024x768xf32>
    %reduce_sum3A_26 = arith.constant dense<0.000000e+00> : vector<1024xf32>
    %reduce_sum3A_27 = vector.multi_reduction <add>, %integer_pow3A, %reduce_sum3A_26 [1] : vector<1024x768xf32> to vector<1024xf32>
    %broadcast_in_dim3A_28 = vector.shape_cast %reduce_sum3A_27 : vector<1024xf32> to vector<1024x1xf32>
    %div3A_29 = arith.constant 7.680000e+02 : f32
    %div3A_30 = vector.broadcast %div3A_29 : f32 to vector<1024x1xf32>
    %div3A_31 = arith.divf %broadcast_in_dim3A_28, %div3A_30 : vector<1024x1xf32>
    %sub3A_32 = vector.broadcast %div3A_23 : vector<1024x1xf32> to vector<1024x768xf32>
    %sub3A_33 = arith.subf %add3A_20, %sub3A_32 : vector<1024x768xf32>
    %add3A_34 = arith.constant 9.99999996E-13 : f32
    %add3A_35 = vector.broadcast %add3A_34 : f32 to vector<1024x1xf32>
    %add3A_36 = arith.addf %div3A_31, %add3A_35 : vector<1024x1xf32>
    %rsqrt3A = math.rsqrt %add3A_36 : vector<1024x1xf32>
    %mul3A_37 = vector.broadcast %rsqrt3A : vector<1024x1xf32> to vector<1024x768xf32>
    %mul3A_38 = arith.mulf %sub3A_33, %mul3A_37 : vector<1024x768xf32>
    %get3A_39 = arith.constant 0 : index
    %get3A_40 = vector.load %arg6[%get3A_39] : memref<768xf32, #tpu.memory_space<vmem>>, vector<768xf32>
    %reshape3A_41 = vector.shape_cast %get3A_40 : vector<768xf32> to vector<1x768xf32>
    %mul3A_42 = vector.broadcast %reshape3A_41 : vector<1x768xf32> to vector<1024x768xf32>
    %mul3A_43 = arith.mulf %mul3A_38, %mul3A_42 : vector<1024x768xf32>
    %get3A_44 = arith.constant 0 : index
    %get3A_45 = vector.load %arg7[%get3A_44] : memref<768xf32, #tpu.memory_space<vmem>>, vector<768xf32>
    %reshape3A_46 = vector.shape_cast %get3A_45 : vector<768xf32> to vector<1x768xf32>
    %add3A_47 = vector.broadcast %reshape3A_46 : vector<1x768xf32> to vector<1024x768xf32>
    %add3A_48 = arith.addf %mul3A_43, %add3A_47 : vector<1024x768xf32>
    %swap3A = arith.constant 0 : index
    %swap3A_49 = arith.constant 0 : index
    %swap3A_50 = vector.load %arg8[%swap3A, %swap3A_49] : memref<1024x768xf32, #tpu.memory_space<vmem>>, vector<1024x768xf32>
    tpu.vector_store %arg8[%swap3A, %swap3A_49], %add3A_48 {strides = array<i32>} : memref<1024x768xf32, #tpu.memory_space<vmem>>, vector<1024x768xf32>,
    return
  }
  func.func @transform_0(%arg0: i32) -> (i32, i32) {
    %c0_i32 = arith.constant 0 : i32
    %c0_i32_0 = arith.constant 0 : i32
    %c0_i32_1 = arith.constant 0 : i32
    return %c0_i32, %c0_i32_0 : i32, i32
  }
  func.func @transform_1(%arg0: i32) -> (i32, i32) {
    %c0_i32 = arith.constant 0 : i32
    %c0_i32_0 = arith.constant 0 : i32
    return %arg0, %c0_i32 : i32, i32
  }
  func.func @transform_2(%arg0: i32) -> (i32, i32) {
    %c1_i32 = arith.constant 1 : i32
    %c0_i32 = arith.constant 0 : i32
    %c0_i32_0 = arith.constant 0 : i32
    return %c1_i32, %c0_i32 : i32, i32
  }
  func.func @transform_3(%arg0: i32) -> (i32, i32, i32) {
    %mul3A = arith.constant 2 : i32
    %mul3A_0 = arith.muli %mul3A, %arg0 : i32
    %add3A = arith.constant 1 : i32
    %add3A_1 = arith.addi %mul3A_0, %add3A : i32
    %c0_i32 = arith.constant 0 : i32
    %c0_i32_2 = arith.constant 0 : i32
    %c0_i32_3 = arith.constant 0 : i32
    return %add3A_1, %c0_i32, %c0_i32_2 : i32, i32, i32
  }
  func.func @transform_4(%arg0: i32) -> (i32, i32) {
    %c0_i32 = arith.constant 0 : i32
    %c0_i32_0 = arith.constant 0 : i32
    %c0_i32_1 = arith.constant 0 : i32
    return %c0_i32, %c0_i32_0 : i32, i32
  }
  func.func @transform_5(%arg0: i32) -> i32 {
    %c0_i32 = arith.constant 0 : i32
    %c0_i32_0 = arith.constant 0 : i32
    return %c0_i32 : i32
  }
  func.func @transform_6(%arg0: i32) -> i32 {
    %c0_i32 = arith.constant 0 : i32
    %c0_i32_0 = arith.constant 0 : i32
    return %c0_i32 : i32
  }
  func.func @transform_7(%arg0: i32) -> (i32, i32) {
    %mul3A = arith.constant 2 : i32
    %mul3A_0 = arith.muli %mul3A, %arg0 : i32
    %add3A = arith.constant 1 : i32
    %add3A_1 = arith.addi %mul3A_0, %add3A : i32
    %c0_i32 = arith.constant 0 : i32
    %c0_i32_2 = arith.constant 0 : i32
    return %add3A_1, %c0_i32 : i32, i32
  }
}

</mosaic_0001>

<sc_bundles>
// kernel: _run.6.cloned.1.call-start
scs
__scs_entry_jumppad:
0x0: {  	(pc) =	sbr.rel $0x88, $3  }
0x1: {  	(tag) =	ssettag $0x0;
	lr =	simm.s32 $0x1  }
0x2: {  	[smem:$0x3F9A] =	sst lr;
	_ =	strace $0xD0000000  }
0x3: {  	_ = 	snop  }
0x4: {  	_ = 	snop  }
0x5: {  	_ = 	snop  }
0x6: {  	_ = 	snop  }
0x7: {  	_ = 	snop  }
__scs_overlays_trampoline_lowered:
0x8: {  	[smem:$0x3FA9] =	sst s0  }
0x9: {  	[smem:$0x3FAA] =	sst s1  }
0xa: {  	[smem:$0x3FAB] =	sst s2  }
0xb: {  	[smem:$0x3FAC] =	sst s3  }
0xc: {  	[smem:$0x3FAD] =	sst s4  }
0xd: {  	[smem:$0x3FAE] =	sst s5  }
0xe: {  	[smem:$0x3FAF] =	sst s6  }
0xf: {  	[smem:$0x3FB0] =	sst s7  }
0x10: {  	[smem:$0x3FB1] =	sst s8  }
0x11: {  	[smem:$0x3FB2] =	sst s9;
	s0 =	simm.s32 @!p0 $0x0  }
0x12: {  	s1 =	sld [smem:$0x3F98];
	s0 =	simm.s32 @p0 $0x1  }
0x13: {  	[smem:$0x3FB3] =	sst s0;
	s0 =	simm.s32 @!p1 $0x0  }
0x14: {  	s2 =	sld [smem:$0x3F97];
	s0 =	simm.s32 @p1 $0x1  }
0x15: {  	[smem:$0x3FB4] =	sst s0;
	s0 =	simm.s32 @!p2 $0x0  }
0x16: {  	s3 =	sld [smem:$0x3FDB];
	s0 =	simm.s32 @p2 $0x1  }
0x17: {  	s4 =	simm.s32 $0x1BF5;
	[smem:$0x3FB6] =	sst s0  }
0x18: {  	s0 =	sld [smem:$0x3F99];
	_ =	swait.ge [sflag:s4], $0x0  }
0x19: {  	s7 =	sld [smem:$0x3F9A]  }
0x1a: {  	s8 =	sadd.s32 $0xFFFFE003, lr  }
0x1b: {  	s9 =	sadd.s32 $0xFFFFFEF7, lr;
	s5 =	simm.s32 $0xFFFFFFFF;
	p2 =	slt.u32 s8, $0xFFFFF086  }
0x1c: {  	p1 =	slt.u32 s9, $0xF7A;
	s5 =	simm.s32 @!p2 $0x0  }
0x1d: {  	s5 =	simm.s32 @p1 $0x1;
	p0 =	seq.s32 s7, s2  }
0x1e: {  	s7 =	smul.u32 @!p0 $0xF7A, s2;
	p2 =	seq.s32 @!p0 s5, $0x0  }
0x1f: {  	s9 =	smul.u32 $0xF7A, s1;
	s8 =	simm.s32 @!p0 $0x1BF5;
	p2 =	por !p2, p0  }
0x20: {  	[sflag:s8] =	ssyncset.s32 @!p0 $0xFFFFF086;
	s6 =	sadd.s32 @!p0 s3, s7;
	s7 =	simm.s32 @!p0 $0x108  }
0x21: {  	s3 =	sadd.s32 s3, s9;
	s6 =	sadd.s32 @!p0 $0x88, s6;
	s7 =	simm.s32 @p2 $0x1082  }
0x22: {  	[simem:s7], [sflag:s8] =	dma.local @!p0 [hbm:s6], $0xF7A  }
0x23: {  	s9 =	sor.u32 $0xD0000000, s2;
	s6 =	simm.s32 $0x108;
	_ =	swait.ge @!p0 [sflag:s8], $0x0  }
0x24: {  	s3 =	sadd.s32 $0x88, s3;
	s6 =	simm.s32 @!p1 $0x1082;
	[sflag:s4] =	ssyncset.s32 $0xFFFFF086  }
0x25: {  	[simem:s6], [sflag:s4] =	dma.local [hbm:s3], $0xF7A  }
0x26: {  	[smem:$0x3F9A] =	sst s1;
	(tag) =	ssettag s2;
	_ =	strace s9  }
0x27: {  	s1 =	sld [smem:$0x3FAA]  }
0x28: {  	s2 =	sld [smem:$0x3FAB]  }
0x29: {  	s4 =	sld [smem:$0x3FAD]  }
0x2a: {  	p0 =	seq.s32 s5, $0x0;
	s5 =	sld [smem:$0x3FAE]  }
0x2b: {  	s6 =	sld [smem:$0x3FAF]  }
0x2c: {  	s7 =	sld [smem:$0x3FB0]  }
0x2d: {  	s3 =	simm.s32 $0x108;
	s8 =	sld [smem:$0x3FB1]  }
0x2e: {  	s3 =	simm.s32 @!p0 $0x1082;
	s9 =	sld [smem:$0x3FB2]  }
0x2f: {  	lr =	sadd.s32 s0, s3;
	s0 =	sld [smem:$0x3FA9]  }
0x30: {  	s3 =	sld [smem:$0x3FAC]  }
0x31: {  	[smem:$0x3FB5] =	sst s10  }
0x32: {  	s10 =	sld [smem:$0x3FB3];
	_ =	sdelay $0x3  }
0x33: {  	p0 =	seq.s32 s10, $0x1;
	s10 =	sld [smem:$0x3FB5];
	_ =	sdelay $0x3  }
0x34: {  	[smem:$0x3FB5] =	sst s10  }
0x35: {  	s10 =	sld [smem:$0x3FB4];
	_ =	sdelay $0x3  }
0x36: {  	p1 =	seq.s32 s10, $0x1;
	s10 =	sld [smem:$0x3FB5];
	_ =	sdelay $0x3  }
0x37: {  	[smem:$0x3FB5] =	sst s10  }
0x38: {  	s10 =	sld [smem:$0x3FB6]  }
0x39: {  	_ = 	snop;
	(pc) =	sbr.ind lr, $3  }
0x3a: {  	_ = 	snop  }
0x3b: {  	_ = 	snop  }
0x3c: {  	p2 =	seq.s32 s10, $0x1;
	s10 =	sld [smem:$0x3FB5]  }
0x3d: {  	_ =	shalt  }
0x3e: {  	_ =	shalt  }
0x3f: {  	_ =	shalt  }
0x40: {  	_ =	shalt  }
0x41: {  	_ =	shalt  }
0x42: {  	_ =	shalt  }
0x43: {  	_ =	shalt  }
0x44: {  	_ =	shalt  }
0x45: {  	_ =	shalt  }
0x46: {  	_ =	shalt  }
0x47: {  	_ =	shalt  }
0x48: {  	_ =	shalt  }
0x49: {  	_ =	shalt  }
0x4a: {  	_ =	shalt  }
0x4b: {  	_ =	shalt  }
0x4c: {  	_ =	shalt  }
0x4d: {  	_ =	shalt  }
0x4e: {  	_ =	shalt  }
0x4f: {  	_ =	shalt  }
0x50: {  	_ =	shalt  }
0x51: {  	_ =	shalt  }
0x52: {  	_ =	shalt  }
0x53: {  	_ =	shalt  }
0x54: {  	_ =	shalt  }
0x55: {  	_ =	shalt  }
0x56: {  	_ =	shalt  }
0x57: {  	_ =	shalt  }
0x58: {  	_ =	shalt  }
0x59: {  	_ =	shalt  }
0x5a: {  	_ =	shalt  }
0x5b: {  	_ =	shalt  }
0x5c: {  	_ =	shalt  }
0x5d: {  	_ =	shalt  }
0x5e: {  	_ =	shalt  }
0x5f: {  	_ =	shalt  }
0x60: {  	_ =	shalt  }
0x61: {  	_ =	shalt  }
0x62: {  	_ =	shalt  }
0x63: {  	_ =	shalt  }
0x64: {  	_ =	shalt  }
0x65: {  	_ =	shalt  }
0x66: {  	_ =	shalt  }
0x67: {  	_ =	shalt  }
0x68: {  	_ =	shalt  }
0x69: {  	_ =	shalt  }
0x6a: {  	_ =	shalt  }
0x6b: {  	_ =	shalt  }
0x6c: {  	_ =	shalt  }
0x6d: {  	_ =	shalt  }
0x6e: {  	_ =	shalt  }
0x6f: {  	_ =	shalt  }
0x70: {  	_ =	shalt  }
0x71: {  	_ =	shalt  }
0x72: {  	_ =	shalt  }
0x73: {  	_ =	shalt  }
0x74: {  	_ =	shalt  }
0x75: {  	_ =	shalt  }
0x76: {  	_ =	shalt  }
0x77: {  	_ =	shalt  }
0x78: {  	_ =	shalt  }
0x79: {  	_ =	shalt  }
0x7a: {  	_ =	shalt  }
0x7b: {  	_ =	shalt  }
0x7c: {  	_ =	shalt  }
0x7d: {  	_ =	shalt  }
0x7e: {  	_ =	shalt  }
0x7f: {  	_ =	shalt  }
0x80: {  	_ =	shalt  }
0x81: {  	_ =	shalt  }
0x82: {  	_ =	shalt  }
0x83: {  	_ =	shalt  }
0x84: {  	_ =	shalt  }
0x85: {  	_ =	shalt  }
0x86: {  	_ =	shalt  }
0x87: {  	_ =	shalt  }
.Lfunc_end0:
.L_simem_size_0:
called_computation_lowered:
.L_overlay_start_0:
0x88: {  	s2 =	sld [smem:$0x3FD9]  }
0x89: {  	s3 =	sld [smem:$0x3FFE];
	_ =	sdelay $0x1  }
0x8a: {  	s1 =	srdreg.scid  }
0x8b: {  	s0 =	sand.u32 $0x1, s1  }
0x8c: {  	s18 =	sshll.u32 s0, $0xA;
	s2 =	sadd.s32 s3, s2  }
0x8d: {  	s2 =	sadd.s32 s2, s18  }
0x8e: {  	[smem:$0x3FC1] =	sst s2  }
0x8f: {  	_ = 	snop  }
0x90: {  	s2 =	sld [smem:$0x3FC9]  }
0x91: {  	s19 =	sld [smem:$0x3FC7]  }
0x92: {  	s4 =	sld [smem:$0x3FD0];
	(tm) =	ssettm $0x1  }
0x93: {  	s5 =	sld [smem:$0x3FFB];
	_ =	sdelay $0x3  }
0x94: {  	_ =	strace s5  }
0x95: {  	s5 =	sld [smem:$0x3FFC];
	_ =	sdelay $0x3  }
0x96: {  	_ =	strace s5  }
0x97: {  	s5 =	sld [smem:$0x3FFD];
	_ =	sdelay $0x3  }
0x98: {  	_ =	strace s5  }
0x99: {  	_ =	strace $0x8FFFFFFF  }
0x9a: {  	s20 =	sld [smem:$0x3FDB];
	_ =	sdelay $0x1  }
0x9b: {  	s6 =	simm.s32 $_scs_section_size  }
0x9c: {  	s7 =	simm.s32 $_size__tile_overlayer_lowered;
	s8 =	simm.s32 $_tile_overlayer_lowered  }
0x9d: {  	s23 =	simm.s32 $0x1BFF;
	s22 =	sshll.u32 s8, $0x1;
	s5 =	sadd.s32 s6, s20  }
0x9e: {  	s9 =	simm.s32 $0x0;
	s21 =	sshll.u32 s7, $0x1;
	s7 =	sadd.s32 s22, s5  }
0x9f: {  	[timem:s9], [sflag:s23] =	dma.local [hbm:s7], s21  }
0xa0: {  	_ =	swait.ge [sflag:s23], s21  }
0xa1: {  	s6 =	ssub.s32 $0x0, s21;
	[sflag:s23] =	ssyncset.done $0x0  }
0xa2: {  	[sflag:s23] =	ssyncadd.s32 s6;
	_ =	sdelay $0x1  }
0xa3: {  	s24 =	simm.s32 $0x1B8B  }
0xa4: {  	_ =	swait.ge [sflag:s24], $0x1  }
0xa5: {  	[sflag:s24] =	ssyncset.done $0x0  }
0xa6: {  	s25 =	simm.s32 $0x1B8E;
	[sflag:s24] =	ssyncadd.s32 $0xFFFFFFFF  }
0xa7: {  	s26 =	simm.s32 $execute0_lowered;
	[smem:$0x3FD2] =	sst s25  }
0xa8: {  	s6 =	sshll.u32 s26, $0x1;
	_ =	strace $0x80000046;
	[dreg:$0x1] =	wrdreg $0xFFFFFFFF  }
0xa9: {  	s28 =	simm.s32 $_size_execute0_lowered;
	s5 =	sadd.s32 s5, s6;
	[dreg:$0x0] =	wrdreg $0x0  }
0xaa: {  	s6 =	sshll.u32 s28, $0x1;
	[dreg:$0x2] =	wrdreg s5  }
0xab: {  	[dreg:$0x3] =	wrdreg s6  }
0xac: {  	[dreg:$0x4] =	wrdreg $0xC0  }
0xad: {  	_ =	task [dreg:s9], $0x5FFFF  }
0xae: {  	[dreg:$0x1] =	wrdreg $0xFFFFFFFF  }
0xaf: {  	[dreg:$0x0] =	wrdreg $0x60  }
0xb0: {  	[dreg:$0x2] =	wrdreg s2  }
0xb1: {  	[dreg:$0x3] =	wrdreg s19  }
0xb2: {  	[dreg:$0x4] =	wrdreg s4  }
0xb3: {  	[dreg:$0x5] =	wrdreg $0x9  }
0xb4: {  	_ =	task.clear_ibuf [dreg:s9], $0x6FFFF;
	_ =	strace $0x90000046  }
0xb5: {  	s29 =	simm.s32 $0x9;
	_ =	strace $0x80000048  }
0xb6: {  	_ =	swait.ge [sflag:s29], $0x1  }
0xb7: {  	[sflag:s29] =	ssyncadd.s32 $0xFFFFFFFF  }
0xb8: {  	_ =	strace $0x90000048  }
0xb9: {  	_ =	sfence  }
0xba: {  	s30 =	sld [smem:$0x0];
	_ =	sdelay $0x2  }
0xbb: {  	s31 =	sshll.u32 s1, $0xD;
	s1 =	sshrl.u32 s1, $0x2  }
0xbc: {  	s3 =	sand.u32 $0x4000, s31;
	s1 =	sadd.s32 s1, s30  }
0xbd: {  	s0 =	sor.u32 s3, s0;
	s1 =	sshll.u32 s1, $0x11  }
0xbe: {  	s0 =	sor.u32 s1, s0  }
0xbf: {  	s0 =	sadd.s32 $0x8F2B, s0  }
0xc0: {  	[sflag:s0] =	ssyncadd.remote.s32 $0x1  }
0xc1: {  	_ =	sfence.sel $0xFFFF  }
0xc2: {  	[dreg:$0x0] =	wrdreg $0xFFFFFFFF;
	(pc) =	sbr.abs _section_cstart, $3  }
0xc3: {  	[dreg:$0x1] =	wrdreg $0xFFFFFFFF  }
0xc4: {  	_ =	task.clear_ibuf [dreg:s9], $0x2FFFF;
	_ =	strace $0x9FFFFFFF  }
0xc5: {  	(tm) =	ssettm $0x7FFFFFFF  }
tec
execute0_lowered:
.L_overlay_start_1:
0x0: {  	(tag) =	ssettag $0x1  }
0x1: {  	s0 =	stileid.u32  }
0x2: {  	s4 =	rddreg [dreg:$0x0];
	s1 =	srdreg.scid;
	s3 =	sshll.u32 s0, $0x1  }
0x3: {  	s2 =	rddreg [dreg:$0x1];
	s1 =	sand.u32 $0x1, s1;
	s3 =	sand.u32 $0x6, s3  }
0x4: {  	s5 =	rddreg [dreg:$0x2];
	s3 =	sor.u32 s1, s3  }
0x5: {  	s7 =	sshll.u32 s3, $0x4;
	s14 =	sshll.u32 s3, $0x6;
	s3 =	simm.s32 $0x0  }
0x6: {  	s18 =	simm.s32 $0x900;
	[smem:$0x7FF] =	sst s3  }
0x7: {  	s19 =	simm.s32 $0x1100;
	_ =	strace $0x80000047;
	[dreg:$0x7] =	wrdreg s18  }
0x8: {  	s20 =	simm.s32 $0x1900;
	[dreg:$0x8] =	wrdreg s19  }
0x9: {  	s21 =	simm.s32 $0x2100;
	[dreg:$0x9] =	wrdreg s20  }
0xa: {  	s22 =	simm.s32 $0x2900;
	[dreg:$0xa] =	wrdreg s21  }
0xb: {  	s23 =	simm.s32 $0x3100;
	[dreg:$0xb] =	wrdreg s22  }
0xc: {  	s24 =	simm.s32 $0x3900;
	s25 =	simm.s32 $0x4100;
	[dreg:$0xc] =	wrdreg s23  }
0xd: {  	s26 =	simm.s32 $0x4900;
	s9 =	simm.s32 $0x7100;
	[dreg:$0xd] =	wrdreg s24  }
0xe: {  	s10 =	simm.s32 $0x7900;
	s11 =	simm.s32 $0x8100;
	[dreg:$0xe] =	wrdreg s25  }
0xf: {  	s6 =	sshrl.u32 s0, $0x2;
	s0 =	simm.s32 $0x5100;
	[dreg:$0xf] =	wrdreg s26  }
0x10: {  	s12 =	simm.s32 $0x8900;
	s13 =	simm.s32 $0x9100;
	[dreg:$0x10] =	wrdreg s0  }
0x11: {  	s28 =	simm.s32 $0x17900;
	s29 =	simm.s32 $0x1;
	[dreg:$0x14] =	wrdreg s9  }
0x12: {  	s30 =	simm.s32 $0x2;
	s31 =	simm.s32 $0x3;
	[dreg:$0x15] =	wrdreg s10  }
0x13: {  	s8 =	sshll.u32 s6, $0x8;
	s6 =	sshll.u32 s6, $0x4;
	[dreg:$0x16] =	wrdreg s11  }
0x14: {  	s7 =	sor.u32 s8, s7;
	s6 =	sor.u32 s6, s14;
	[dreg:$0x17] =	wrdreg s12  }
0x15: {  	s14 =	simm.s32 $0x9900;
	s15 =	smul.u32 $0x1800, s7;
	[dreg:$0x18] =	wrdreg s13  }
0x16: {  	s16 =	smul.u32 $0x300, s7;
	s7 =	simm.s32 $0x6100;
	[dreg:$0x19] =	wrdreg s14  }
0x17: {  	s1 =	ssub.s32 $0x2, s1;
	s18 =	simm.s32 $0xB900;
	[dreg:$0x12] =	wrdreg s7  }
0x18: {  	s4 =	sadd.s32 s4, s6;
	s19 =	simm.s32 $0x80;
	[dreg:$0x1d] =	wrdreg s18  }
0x19: {  	s20 =	sshrl.u32 s1, $0x1;
	s21 =	simm.s32 $0xC900;
	[dreg:$0x1e] =	wrdreg s19  }
0x1a: {  	s22 =	simm.s32 $0xD100;
	s23 =	simm.s32 $0xD900;
	[dreg:$0x1f] =	wrdreg s21  }
0x1b: {  	s24 =	simm.s32 $0xE100;
	s25 =	simm.s32 $0xE900;
	[smem:$0x7F9] =	sst s22  }
0x1c: {  	s26 =	simm.s32 $0xF100;
	s9 =	simm.s32 $0x100;
	[smem:$0x7FA] =	sst s23  }
0x1d: {  	s10 =	simm.s32 $0xC100;
	s13 =	simm.s32 $0x10900;
	[smem:$0x7FB] =	sst s24  }
0x1e: {  	s14 =	simm.s32 $0x11100;
	s17 =	sadd.s32 $0x8, s4;
	[smem:$0x7FC] =	sst s25  }
0x1f: {  	s1 =	ssub.s32 s1, s20;
	[smem:$0x7FD] =	sst s26;
	s18 =	simm.s32 $0x13100  }
0x20: {  	s19 =	simm.s32 $0x13900;
	s20 =	simm.s32 $0x14100;
	s21 =	simm.s32 $0x14900  }
0x21: {  	s22 =	simm.s32 $0x15100;
	s23 =	simm.s32 $0x15900;
	s24 =	simm.s32 $0x16100  }
0x22: {  	s25 =	simm.s32 $0x16900;
	s26 =	simm.s32 $0x17100;
	s8 =	sshrl.u32 s15, $0x3  }
0x23: {  	[dreg:$0x4] =	wrdreg s17;
	s6 =	sadd.s32 s5, s16;
	s15 =	simm.s32 $0xA100  }
0x24: {  	s16 =	simm.s32 $0xA900;
	s17 =	simm.s32 $0xB100;
	[dreg:$0x5] =	wrdreg s6  }
0x25: {  	s7 =	smax.u32 s1, $0x1;
	s1 =	simm.s32 $0x4;
	[dreg:$0x1a] =	wrdreg s15  }
0x26: {  	s5 =	sadd.s32 s5, s8;
	s6 =	simm.s32 $0x5900;
	[dreg:$0x1b] =	wrdreg s16  }
0x27: {  	s8 =	simm.s32 $0x6900;
	[dreg:$0x1c] =	wrdreg s17;
	s15 =	simm.s32 $0x11900  }
0x28: {  	v2 =	vlaneseq.u32;
	s16 =	simm.s32 $0x12100;
	s17 =	simm.s32 $0x12900;
	[dreg:$0x11] =	wrdreg s6  }
0x29: {  	vm0 =	vmmov $0xffff;
	v1 =	vshrl.u32 v2, $0x3;
	s5 =	sadd.s32 $0x1800, s5;
	[dreg:$0x13] =	wrdreg s8;
	s6 =	sadd.s32 $0x200, s2  }
0x2a: {  	v0 =	vand.u32 $0x7, v2;
	v2 =	vor.u32 $0x8, v2;
	v1 =	vmul.u32 $0x8, v1;
	s8 =	simm.s32 $0x5;
	[dreg:$0x6] =	wrdreg s5;
	s5 =	sadd.s32 $0x100, s2  }
.LBB2_1:
0x2b: {  	[tilespmem:s3], [sflag:$0x5] =	stream.linear.gather [hbm4b:s4+s3], $0x40, $0x38;
	[tilespmem:$0x18100] =	vst v63  }
0x2c: {  	_ =	swait.ge [sflag:s8], $0x40  }
0x2d: {  	[sflag:s8] =	ssyncset.done $0x0  }
0x2e: {  	[sflag:s8] =	ssyncadd.s32 $0xFFFFFFC0  }
0x2f: {  	v3 =	vld [tilespmem:$0x0];
	_ =	sdelay $0x4  }
0x30: {  	v4 =	vshrl.u32 v3, $0x3  }
0x31: {  	v4 =	vmul.u32 $0x30, v4  }
0x32: {  	v3 =	vand.u32 $0x7, v3  }
0x33: {  	v3 =	vor.u32 v3, v4  }
0x34: {  	v4 =	vperm.xlane v3, v0;
	_ =	sdelay $0x1  }
0x35: {  	v4 =	vadd.s32 v1, v4;
	_ =	sdelay $0x3  }
0x36: {  	v3 =	vperm.xlane v3, v2  }
0x37: {  	[tilespmem:s9], [sflag:$0x1] =	stream.indirect_vreg.gather [hbm4b:s2+s3], $0x80, v4, vm0, $0xb8;
	[tilespmem:$0x18100] =	vst v63  }
0x38: {  	s0 =	rddreg [dreg:$0x7];
	v3 =	vadd.s32 v1, v3  }
0x39: {  	[tilespmem:s0], [sflag:$0x1] =	stream.indirect_vreg.gather [hbm4b:s5+s3], $0x80, v4, vm0, $0xb8;
	[tilespmem:$0x18100] =	vst v63  }
0x3a: {  	s11 =	rddreg [dreg:$0x8]  }
0x3b: {  	[tilespmem:s11], [sflag:$0x1] =	stream.indirect_vreg.gather [hbm4b:s6+s3], $0x80, v4, vm0, $0xb8;
	[tilespmem:$0x18100] =	vst v63  }
0x3c: {  	s12 =	rddreg [dreg:$0x9]  }
0x3d: {  	[tilespmem:s12], [sflag:$0x1] =	stream.indirect_vreg.gather [hbm4b:s2+s3], $0x80, v3, vm0, $0xb8;
	[tilespmem:$0x18100] =	vst v63  }
0x3e: {  	s11 =	rddreg [dreg:$0xa]  }
0x3f: {  	[tilespmem:s11], [sflag:$0x1] =	stream.indirect_vreg.gather [hbm4b:s5+s3], $0x80, v3, vm0, $0xb8;
	[tilespmem:$0x18100] =	vst v63  }
0x40: {  	s12 =	rddreg [dreg:$0xb]  }
0x41: {  	[tilespmem:s12], [sflag:$0x1] =	stream.indirect_vreg.gather [hbm4b:s6+s3], $0x80, v3, vm0, $0xb8;
	[tilespmem:$0x18100] =	vst v63  }
0x42: {  	v3 =	vld [tilespmem:$0x10];
	_ =	sdelay $0x4  }
0x43: {  	v57 =	vshrl.u32 v3, $0x3  }
0x44: {  	v4 =	vmul.u32 $0x30, v57  }
0x45: {  	v3 =	vand.u32 $0x7, v3  }
0x46: {  	v3 =	vor.u32 v3, v4  }
0x47: {  	v4 =	vperm.xlane v3, v0;
	_ =	sdelay $0x1  }
0x48: {  	v4 =	vadd.s32 v1, v4;
	_ =	sdelay $0x3  }
0x49: {  	s11 =	rddreg [dreg:$0xc];
	v3 =	vperm.xlane v3, v2  }
0x4a: {  	[tilespmem:s11], [sflag:$0x1] =	stream.indirect_vreg.gather [hbm4b:s2+s3], $0x80, v4, vm0, $0xb8;
	[tilespmem:$0x18100] =	vst v63  }
0x4b: {  	s12 =	rddreg [dreg:$0xd];
	v3 =	vadd.s32 v1, v3  }
0x4c: {  	[tilespmem:s12], [sflag:$0x1] =	stream.indirect_vreg.gather [hbm4b:s5+s3], $0x80, v4, vm0, $0xb8;
	[tilespmem:$0x18100] =	vst v63  }
0x4d: {  	s0 =	rddreg [dreg:$0xe]  }
0x4e: {  	[tilespmem:s0], [sflag:$0x1] =	stream.indirect_vreg.gather [hbm4b:s6+s3], $0x80, v4, vm0, $0xb8;
	[tilespmem:$0x18100] =	vst v63  }
0x4f: {  	s12 =	rddreg [dreg:$0xf]  }
0x50: {  	[tilespmem:s12], [sflag:$0x1] =	stream.indirect_vreg.gather [hbm4b:s2+s3], $0x80, v3, vm0, $0xb8;
	[tilespmem:$0x18100] =	vst v63  }
0x51: {  	s0 =	rddreg [dreg:$0x10]  }
0x52: {  	[tilespmem:s0], [sflag:$0x1] =	stream.indirect_vreg.gather [hbm4b:s5+s3], $0x80, v3, vm0, $0xb8;
	[tilespmem:$0x18100] =	vst v63  }
0x53: {  	s12 =	rddreg [dreg:$0x11]  }
0x54: {  	[tilespmem:s12], [sflag:$0x1] =	stream.indirect_vreg.gather [hbm4b:s6+s3], $0x80, v3, vm0, $0xb8;
	[tilespmem:$0x18100] =	vst v63  }
0x55: {  	v3 =	vld [tilespmem:$0x20];
	_ =	sdelay $0x4  }
0x56: {  	v58 =	vshrl.u32 v3, $0x3  }
0x57: {  	v4 =	vmul.u32 $0x30, v58  }
0x58: {  	v3 =	vand.u32 $0x7, v3  }
0x59: {  	v3 =	vor.u32 v3, v4  }
0x5a: {  	v4 =	vperm.xlane v3, v0;
	_ =	sdelay $0x1  }
0x5b: {  	v4 =	vadd.s32 v1, v4;
	_ =	sdelay $0x3  }
0x5c: {  	s11 =	rddreg [dreg:$0x12];
	v3 =	vperm.xlane v3, v2  }
0x5d: {  	[tilespmem:s11], [sflag:$0x1] =	stream.indirect_vreg.gather [hbm4b:s2+s3], $0x80, v4, vm0, $0xb8;
	[tilespmem:$0x18100] =	vst v63  }
0x5e: {  	s12 =	rddreg [dreg:$0x13];
	v3 =	vadd.s32 v1, v3  }
0x5f: {  	[tilespmem:s12], [sflag:$0x1] =	stream.indirect_vreg.gather [hbm4b:s5+s3], $0x80, v4, vm0, $0xb8;
	[tilespmem:$0x18100] =	vst v63  }
0x60: {  	s0 =	rddreg [dreg:$0x14]  }
0x61: {  	[tilespmem:s0], [sflag:$0x1] =	stream.indirect_vreg.gather [hbm4b:s6+s3], $0x80, v4, vm0, $0xb8;
	[tilespmem:$0x18100] =	vst v63  }
0x62: {  	s12 =	rddreg [dreg:$0x15]  }
0x63: {  	[tilespmem:s12], [sflag:$0x1] =	stream.indirect_vreg.gather [hbm4b:s2+s3], $0x80, v3, vm0, $0xb8;
	[tilespmem:$0x18100] =	vst v63  }
0x64: {  	s0 =	rddreg [dreg:$0x16]  }
0x65: {  	[tilespmem:s0], [sflag:$0x1] =	stream.indirect_vreg.gather [hbm4b:s5+s3], $0x80, v3, vm0, $0xb8;
	[tilespmem:$0x18100] =	vst v63  }
0x66: {  	s12 =	rddreg [dreg:$0x17]  }
0x67: {  	[tilespmem:s12], [sflag:$0x1] =	stream.indirect_vreg.gather [hbm4b:s6+s3], $0x80, v3, vm0, $0xb8;
	[tilespmem:$0x18100] =	vst v63  }
0x68: {  	v3 =	vld [tilespmem:$0x30];
	_ =	sdelay $0x4  }
0x69: {  	v59 =	vshrl.u32 v3, $0x3  }
0x6a: {  	v4 =	vmul.u32 $0x30, v59  }
0x6b: {  	v3 =	vand.u32 $0x7, v3  }
0x6c: {  	v3 =	vor.u32 v3, v4  }
0x6d: {  	v4 =	vperm.xlane v3, v0;
	_ =	sdelay $0x1  }
0x6e: {  	v4 =	vadd.s32 v1, v4;
	_ =	sdelay $0x2  }
0x6f: {  	s11 =	rddreg [dreg:$0x19]  }
0x70: {  	s12 =	rddreg [dreg:$0x18];
	v3 =	vperm.xlane v3, v2  }
0x71: {  	[tilespmem:s12], [sflag:$0x1] =	stream.indirect_vreg.gather [hbm4b:s2+s3], $0x80, v4, vm0, $0xb8;
	[tilespmem:$0x18100] =	vst v63  }
0x72: {  	s0 =	rddreg [dreg:$0x1d];
	v3 =	vadd.s32 v1, v3  }
0x73: {  	[tilespmem:s11], [sflag:$0x1] =	stream.indirect_vreg.gather [hbm4b:s5+s3], $0x80, v4, vm0, $0xb8;
	[tilespmem:$0x18100] =	vst v63  }
0x74: {  	s12 =	rddreg [dreg:$0x1a]  }
0x75: {  	[tilespmem:s12], [sflag:$0x1] =	stream.indirect_vreg.gather [hbm4b:s6+s3], $0x80, v4, vm0, $0xb8;
	[tilespmem:$0x18100] =	vst v63  }
0x76: {  	s11 =	rddreg [dreg:$0x1b]  }
0x77: {  	[tilespmem:s11], [sflag:$0x1] =	stream.indirect_vreg.gather [hbm4b:s2+s3], $0x80, v3, vm0, $0xb8;
	[tilespmem:$0x18100] =	vst v63  }
0x78: {  	s12 =	rddreg [dreg:$0x1c]  }
0x79: {  	[tilespmem:s12], [sflag:$0x1] =	stream.indirect_vreg.gather [hbm4b:s5+s3], $0x80, v3, vm0, $0xb8;
	[tilespmem:$0x18100] =	vst v63  }
0x7a: {  	s11 =	rddreg [dreg:$0x4]  }
0x7b: {  	[tilespmem:s0], [sflag:$0x1] =	stream.indirect_vreg.gather [hbm4b:s6+s3], $0x80, v3, vm0, $0xb8;
	[tilespmem:$0x18100] =	vst v63  }
0x7c: {  	s12 =	rddreg [dreg:$0x1e]  }
0x7d: {  	[tilespmem:s12], [sflag:$0x5] =	stream.linear.gather [hbm4b:s11+s3], $0x40, $0x38;
	[tilespmem:$0x18100] =	vst v63  }
0x7e: {  	_ =	swait.ge [sflag:s8], $0x40  }
0x7f: {  	[sflag:s8] =	ssyncset.done $0x0  }
0x80: {  	[sflag:s8] =	ssyncadd.s32 $0xFFFFFFC0  }
0x81: {  	v3 =	vld [tilespmem:$0x80];
	_ =	sdelay $0x4  }
0x82: {  	v60 =	vshrl.u32 v3, $0x3  }
0x83: {  	v4 =	vmul.u32 $0x30, v60  }
0x84: {  	v3 =	vand.u32 $0x7, v3  }
0x85: {  	v3 =	vor.u32 v3, v4  }
0x86: {  	v4 =	vperm.xlane v3, v0;
	_ =	sdelay $0x1  }
0x87: {  	v4 =	vadd.s32 v1, v4;
	_ =	sdelay $0x3  }
0x88: {  	s12 =	rddreg [dreg:$0x1f];
	v3 =	vperm.xlane v3, v2  }
0x89: {  	[tilespmem:s10], [sflag:$0x2] =	stream.indirect_vreg.gather [hbm4b:s2+s3], $0x80, v4, vm0, $0xb8;
	[tilespmem:$0x18100] =	vst v63  }
0x8a: {  	s11 =	sld [smem:$0x7F9];
	v3 =	vadd.s32 v1, v3  }
0x8b: {  	[tilespmem:s12], [sflag:$0x2] =	stream.indirect_vreg.gather [hbm4b:s5+s3], $0x80, v4, vm0, $0xb8;
	[tilespmem:$0x18100] =	vst v63  }
0x8c: {  	s12 =	sld [smem:$0x7FA]  }
0x8d: {  	[tilespmem:s11], [sflag:$0x2] =	stream.indirect_vreg.gather [hbm4b:s6+s3], $0x80, v4, vm0, $0xb8;
	[tilespmem:$0x18100] =	vst v63  }
0x8e: {  	s11 =	sld [smem:$0x7FB]  }
0x8f: {  	[tilespmem:s12], [sflag:$0x2] =	stream.indirect_vreg.gather [hbm4b:s2+s3], $0x80, v3, vm0, $0xb8;
	[tilespmem:$0x18100] =	vst v63  }
0x90: {  	s12 =	sld [smem:$0x7FC]  }
0x91: {  	[tilespmem:s11], [sflag:$0x2] =	stream.indirect_vreg.gather [hbm4b:s5+s3], $0x80, v3, vm0, $0xb8;
	[tilespmem:$0x18100] =	vst v63  }
0x92: {  	_ = 	snop  }
0x93: {  	[tilespmem:s12], [sflag:$0x2] =	stream.indirect_vreg.gather [hbm4b:s6+s3], $0x80, v3, vm0, $0xb8;
	[tilespmem:$0x18100] =	vst v63  }
0x94: {  	v3 =	vld [tilespmem:$0x90];
	_ =	sdelay $0x4  }
0x95: {  	v61 =	vshrl.u32 v3, $0x3  }
0x96: {  	v4 =	vmul.u32 $0x30, v61  }
0x97: {  	v3 =	vand.u32 $0x7, v3  }
0x98: {  	v3 =	vor.u32 v3, v4  }
0x99: {  	v4 =	vperm.xlane v3, v0;
	_ =	sdelay $0x1  }
0x9a: {  	v4 =	vadd.s32 v1, v4;
	_ =	sdelay $0x1  }
0x9b: {  	s12 =	sld [smem:$0x7FD];
	_ =	sdelay $0x1  }
0x9c: {  	v3 =	vperm.xlane v3, v2  }
0x9d: {  	[tilespmem:s12], [sflag:$0x2] =	stream.indirect_vreg.gather [hbm4b:s2+s3], $0x80, v4, vm0, $0xb8;
	[tilespmem:$0x18100] =	vst v63  }
0x9e: {  	s11 =	simm.s32 $0xF900;
	v3 =	vadd.s32 v1, v3  }
0x9f: {  	[tilespmem:s11], [sflag:$0x2] =	stream.indirect_vreg.gather [hbm4b:s5+s3], $0x80, v4, vm0, $0xb8;
	[tilespmem:$0x18100] =	vst v63  }
0xa0: {  	s12 =	simm.s32 $0x10100  }
0xa1: {  	[tilespmem:s12], [sflag:$0x2] =	stream.indirect_vreg.gather [hbm4b:s6+s3], $0x80, v4, vm0, $0xb8;
	[tilespmem:$0x18100] =	vst v63  }
0xa2: {  	_ = 	snop  }
0xa3: {  	[tilespmem:s13], [sflag:$0x2] =	stream.indirect_vreg.gather [hbm4b:s2+s3], $0x80, v3, vm0, $0xb8;
	[tilespmem:$0x18100] =	vst v63  }
0xa4: {  	_ = 	snop  }
0xa5: {  	[tilespmem:s14], [sflag:$0x2] =	stream.indirect_vreg.gather [hbm4b:s5+s3], $0x80, v3, vm0, $0xb8;
	[tilespmem:$0x18100] =	vst v63  }
0xa6: {  	_ = 	snop  }
0xa7: {  	[tilespmem:s15], [sflag:$0x2] =	stream.indirect_vreg.gather [hbm4b:s6+s3], $0x80, v3, vm0, $0xb8;
	[tilespmem:$0x18100] =	vst v63  }
0xa8: {  	v3 =	vld [tilespmem:$0xA0];
	_ =	sdelay $0x4  }
0xa9: {  	v62 =	vshrl.u32 v3, $0x3  }
0xaa: {  	v4 =	vmul.u32 $0x30, v62  }
0xab: {  	v3 =	vand.u32 $0x7, v3  }
0xac: {  	v3 =	vor.u32 v3, v4  }
0xad: {  	v4 =	vperm.xlane v3, v0;
	_ =	sdelay $0x1  }
0xae: {  	v4 =	vadd.s32 v1, v4;
	_ =	sdelay $0x3  }
0xaf: {  	v3 =	vperm.xlane v3, v2  }
0xb0: {  	[tilespmem:s16], [sflag:$0x2] =	stream.indirect_vreg.gather [hbm4b:s2+s3], $0x80, v4, vm0, $0xb8;
	[tilespmem:$0x18100] =	vst v63  }
0xb1: {  	v3 =	vadd.s32 v1, v3  }
0xb2: {  	[tilespmem:s17], [sflag:$0x2] =	stream.indirect_vreg.gather [hbm4b:s5+s3], $0x80, v4, vm0, $0xb8;
	[tilespmem:$0x18100] =	vst v63  }
0xb3: {  	_ = 	snop  }
0xb4: {  	[tilespmem:s18], [sflag:$0x2] =	stream.indirect_vreg.gather [hbm4b:s6+s3], $0x80, v4, vm0, $0xb8;
	[tilespmem:$0x18100] =	vst v63  }
0xb5: {  	_ = 	snop  }
0xb6: {  	[tilespmem:s19], [sflag:$0x2] =	stream.indirect_vreg.gather [hbm4b:s2+s3], $0x80, v3, vm0, $0xb8;
	[tilespmem:$0x18100] =	vst v63  }
0xb7: {  	_ = 	snop  }
0xb8: {  	[tilespmem:s20], [sflag:$0x2] =	stream.indirect_vreg.gather [hbm4b:s5+s3], $0x80, v3, vm0, $0xb8;
	[tilespmem:$0x18100] =	vst v63  }
0xb9: {  	_ = 	snop  }
0xba: {  	[tilespmem:s21], [sflag:$0x2] =	stream.indirect_vreg.gather [hbm4b:s6+s3], $0x80, v3, vm0, $0xb8;
	[tilespmem:$0x18100] =	vst v63  }
0xbb: {  	v3 =	vld [tilespmem:$0xB0];
	_ =	sdelay $0x4  }
0xbc: {  	v63 =	vshrl.u32 v3, $0x3  }
0xbd: {  	v4 =	vmul.u32 $0x30, v63  }
0xbe: {  	v3 =	vand.u32 $0x7, v3  }
0xbf: {  	v3 =	vor.u32 v3, v4  }
0xc0: {  	v4 =	vperm.xlane v3, v0;
	_ =	sdelay $0x1  }
0xc1: {  	v4 =	vadd.s32 v1, v4;
	_ =	sdelay $0x3  }
0xc2: {  	v3 =	vperm.xlane v3, v2  }
0xc3: {  	[tilespmem:s22], [sflag:$0x2] =	stream.indirect_vreg.gather [hbm4b:s2+s3], $0x80, v4, vm0, $0xb8;
	[tilespmem:$0x18100] =	vst v63  }
0xc4: {  	v3 =	vadd.s32 v1, v3  }
0xc5: {  	[tilespmem:s23], [sflag:$0x2] =	stream.indirect_vreg.gather [hbm4b:s5+s3], $0x80, v4, vm0, $0xb8;
	[tilespmem:$0x18100] =	vst v63  }
0xc6: {  	_ = 	snop  }
0xc7: {  	[tilespmem:s24], [sflag:$0x2] =	stream.indirect_vreg.gather [hbm4b:s6+s3], $0x80, v4, vm0, $0xb8;
	[tilespmem:$0x18100] =	vst v63  }
0xc8: {  	_ = 	snop  }
0xc9: {  	[tilespmem:s25], [sflag:$0x2] =	stream.indirect_vreg.gather [hbm4b:s2+s3], $0x80, v3, vm0, $0xb8;
	[tilespmem:$0x18100] =	vst v63  }
0xca: {  	_ = 	snop  }
0xcb: {  	[tilespmem:s26], [sflag:$0x2] =	stream.indirect_vreg.gather [hbm4b:s5+s3], $0x80, v3, vm0, $0xb8;
	[tilespmem:$0x18100] =	vst v63  }
0xcc: {  	_ = 	snop  }
0xcd: {  	[tilespmem:s28], [sflag:$0x2] =	stream.indirect_vreg.gather [hbm4b:s6+s3], $0x80, v3, vm0, $0xb8;
	[tilespmem:$0x18100] =	vst v63  }
0xce: {  	_ =	swait.ge [sflag:s29], $0xC000  }
0xcf: {  	[sflag:s29] =	ssyncset.done $0x0  }
0xd0: {  	s11 =	rddreg [dreg:$0x5];
	[sflag:s29] =	ssyncadd.s32 $0xFFFF4000  }
0xd1: {  	[hbm4b:s11+s3] =	stream.linear.scatter [tilespmem:s9], [sflag:$0x3], $0xC000, $0x38;
	[tilespmem:$0x18100] =	vst v63  }
0xd2: {  	_ =	swait.ge [sflag:s30], $0xC000  }
0xd3: {  	[sflag:s30] =	ssyncset.done $0x0  }
0xd4: {  	s12 =	rddreg [dreg:$0x6];
	[sflag:s30] =	ssyncadd.s32 $0xFFFF4000  }
0xd5: {  	[hbm4b:s12+s3] =	stream.linear.scatter [tilespmem:s10], [sflag:$0x4], $0xC000, $0x38;
	[tilespmem:$0x18100] =	vst v63  }
0xd6: {  	p0 =	sne.s32 s7, $0x1;
	_ =	swait.ge [sflag:s31], $0xC000  }
.Ltmp0:
0xd7: {  	[sflag:s31] =	ssyncset.done $0x0;
	(pc) =	sbr.rel @p0 .LBB2_1-.Ltmp0, $4  }
0xd8: {  	[sflag:s31] =	ssyncadd.s32 $0xFFFF4000  }
0xd9: {  	_ =	swait.ge [sflag:s1], $0xC000  }
0xda: {  	[sflag:s1] =	ssyncset.done $0x0  }
0xdb: {  	s7 =	sadd.s32 $0xFFFFFFFF, s7;
	[sflag:s1] =	ssyncadd.s32 $0xFFFF4000  }
0xdc: {  	_ =	sfence.sel $0x180000  }
0xdd: {  	[bflag:$0x0] =	sbarrier.arrive $0xFFFF  }
0xde: {  	_ =	strace $0x90000047  }
0xdf: {  	s0 =	stileid.u32;
	[bflag:$0x2] =	sbarrier.arrive $0xFFFF  }
0xe0: {  	p0 =	sne.s32 s0, $0x0;
	s0 =	rddreg [dreg:$0x3]  }
0xe1: {  	s0 =	sadd.s32 @!p0 $0x100000, s0  }
0xe2: {  	[sflag:s0] =	ssyncadd.tile.s32 @!p0 $0x1;
	_ =	shalt  }
.Lfunc_end2:
_tile_overlayer_lowered:
.L_overlay_start_2:
0xe3: {  	(tag) =	ssettag $0x2  }
0xe4: {  	s0 =	rddreg [dreg:$0x0];
	s2 =	stileid.u32  }
0xe5: {  	s1 =	rddreg [dreg:$0x1];
	p0 =	sne.s32 s2, $0x0  }
0xe6: {  	s3 =	rddreg [dreg:$0x2];
	[bflag:$0x3] =	sbarrier.arrive $0xFFFF;
	s2 =	simm.s32 @!p0 $0x1C05  }
0xe7: {  	[timem:s3], [sflag:s2] =	dma.local @!p0 [hbm:s0], s1  }
0xe8: {  	s0 =	simm.s32 @!p0 $0x5  }
0xe9: {  	_ =	swait.ge @!p0 [sflag:s0], s1  }
0xea: {  	s1 =	ssub.s32 @!p0 $0x0, s1;
	[sflag:s0] =	ssyncset.done @!p0 $0x0  }
0xeb: {  	[sflag:s0] =	ssyncadd.s32 @!p0 s1  }
0xec: {  	[bflag:$0x3] =	sbarrier.arrive $0xFFFF  }
0xed: {  	_ =	shalt  }

// kernel: _run.9.cloned.1.call-start
scs
__scs_entry_jumppad:
0x0: {  	(pc) =	sbr.rel $0x88, $3  }
0x1: {  	(tag) =	ssettag $0x0;
	lr =	simm.s32 $0x1  }
0x2: {  	[smem:$0x3F9A] =	sst lr;
	_ =	strace $0xD0000000  }
0x3: {  	_ = 	snop  }
0x4: {  	_ = 	snop  }
0x5: {  	_ = 	snop  }
0x6: {  	_ = 	snop  }
0x7: {  	_ = 	snop  }
__scs_overlays_trampoline_lowered:
0x8: {  	[smem:$0x3FA9] =	sst s0  }
0x9: {  	[smem:$0x3FAA] =	sst s1  }
0xa: {  	[smem:$0x3FAB] =	sst s2  }
0xb: {  	[smem:$0x3FAC] =	sst s3  }
0xc: {  	[smem:$0x3FAD] =	sst s4  }
0xd: {  	[smem:$0x3FAE] =	sst s5  }
0xe: {  	[smem:$0x3FAF] =	sst s6  }
0xf: {  	[smem:$0x3FB0] =	sst s7  }
0x10: {  	[smem:$0x3FB1] =	sst s8  }
0x11: {  	[smem:$0x3FB2] =	sst s9;
	s0 =	simm.s32 @!p0 $0x0  }
0x12: {  	s1 =	sld [smem:$0x3F98];
	s0 =	simm.s32 @p0 $0x1  }
0x13: {  	[smem:$0x3FB3] =	sst s0;
	s0 =	simm.s32 @!p1 $0x0  }
0x14: {  	s2 =	sld [smem:$0x3F97];
	s0 =	simm.s32 @p1 $0x1  }
0x15: {  	[smem:$0x3FB4] =	sst s0;
	s0 =	simm.s32 @!p2 $0x0  }
0x16: {  	s3 =	sld [smem:$0x3FDB];
	s0 =	simm.s32 @p2 $0x1  }
0x17: {  	s4 =	simm.s32 $0x1BF5;
	[smem:$0x3FB6] =	sst s0  }
0x18: {  	s0 =	sld [smem:$0x3F99];
	_ =	swait.ge [sflag:s4], $0x0  }
0x19: {  	s7 =	sld [smem:$0x3F9A]  }
0x1a: {  	s8 =	sadd.s32 $0xFFFFE003, lr  }
0x1b: {  	s9 =	sadd.s32 $0xFFFFFEF7, lr;
	s5 =	simm.s32 $0xFFFFFFFF;
	p2 =	slt.u32 s8, $0xFFFFF086  }
0x1c: {  	p1 =	slt.u32 s9, $0xF7A;
	s5 =	simm.s32 @!p2 $0x0  }
0x1d: {  	s5 =	simm.s32 @p1 $0x1;
	p0 =	seq.s32 s7, s2  }
0x1e: {  	s7 =	smul.u32 @!p0 $0xF7A, s2;
	p2 =	seq.s32 @!p0 s5, $0x0  }
0x1f: {  	s9 =	smul.u32 $0xF7A, s1;
	s8 =	simm.s32 @!p0 $0x1BF5;
	p2 =	por !p2, p0  }
0x20: {  	[sflag:s8] =	ssyncset.s32 @!p0 $0xFFFFF086;
	s6 =	sadd.s32 @!p0 s3, s7;
	s7 =	simm.s32 @!p0 $0x108  }
0x21: {  	s3 =	sadd.s32 s3, s9;
	s6 =	sadd.s32 @!p0 $0x88, s6;
	s7 =	simm.s32 @p2 $0x1082  }
0x22: {  	[simem:s7], [sflag:s8] =	dma.local @!p0 [hbm:s6], $0xF7A  }
0x23: {  	s9 =	sor.u32 $0xD0000000, s2;
	s6 =	simm.s32 $0x108;
	_ =	swait.ge @!p0 [sflag:s8], $0x0  }
0x24: {  	s3 =	sadd.s32 $0x88, s3;
	s6 =	simm.s32 @!p1 $0x1082;
	[sflag:s4] =	ssyncset.s32 $0xFFFFF086  }
0x25: {  	[simem:s6], [sflag:s4] =	dma.local [hbm:s3], $0xF7A  }
0x26: {  	[smem:$0x3F9A] =	sst s1;
	(tag) =	ssettag s2;
	_ =	strace s9  }
0x27: {  	s1 =	sld [smem:$0x3FAA]  }
0x28: {  	s2 =	sld [smem:$0x3FAB]  }
0x29: {  	s4 =	sld [smem:$0x3FAD]  }
0x2a: {  	p0 =	seq.s32 s5, $0x0;
	s5 =	sld [smem:$0x3FAE]  }
0x2b: {  	s6 =	sld [smem:$0x3FAF]  }
0x2c: {  	s7 =	sld [smem:$0x3FB0]  }
0x2d: {  	s3 =	simm.s32 $0x108;
	s8 =	sld [smem:$0x3FB1]  }
0x2e: {  	s3 =	simm.s32 @!p0 $0x1082;
	s9 =	sld [smem:$0x3FB2]  }
0x2f: {  	lr =	sadd.s32 s0, s3;
	s0 =	sld [smem:$0x3FA9]  }
0x30: {  	s3 =	sld [smem:$0x3FAC]  }
0x31: {  	[smem:$0x3FB5] =	sst s10  }
0x32: {  	s10 =	sld [smem:$0x3FB3];
	_ =	sdelay $0x3  }
0x33: {  	p0 =	seq.s32 s10, $0x1;
	s10 =	sld [smem:$0x3FB5];
	_ =	sdelay $0x3  }
0x34: {  	[smem:$0x3FB5] =	sst s10  }
0x35: {  	s10 =	sld [smem:$0x3FB4];
	_ =	sdelay $0x3  }
0x36: {  	p1 =	seq.s32 s10, $0x1;
	s10 =	sld [smem:$0x3FB5];
	_ =	sdelay $0x3  }
0x37: {  	[smem:$0x3FB5] =	sst s10  }
0x38: {  	s10 =	sld [smem:$0x3FB6]  }
0x39: {  	_ = 	snop;
	(pc) =	sbr.ind lr, $3  }
0x3a: {  	_ = 	snop  }
0x3b: {  	_ = 	snop  }
0x3c: {  	p2 =	seq.s32 s10, $0x1;
	s10 =	sld [smem:$0x3FB5]  }
0x3d: {  	_ =	shalt  }
0x3e: {  	_ =	shalt  }
0x3f: {  	_ =	shalt  }
0x40: {  	_ =	shalt  }
0x41: {  	_ =	shalt  }
0x42: {  	_ =	shalt  }
0x43: {  	_ =	shalt  }
0x44: {  	_ =	shalt  }
0x45: {  	_ =	shalt  }
0x46: {  	_ =	shalt  }
0x47: {  	_ =	shalt  }
0x48: {  	_ =	shalt  }
0x49: {  	_ =	shalt  }
0x4a: {  	_ =	shalt  }
0x4b: {  	_ =	shalt  }
0x4c: {  	_ =	shalt  }
0x4d: {  	_ =	shalt  }
0x4e: {  	_ =	shalt  }
0x4f: {  	_ =	shalt  }
0x50: {  	_ =	shalt  }
0x51: {  	_ =	shalt  }
0x52: {  	_ =	shalt  }
0x53: {  	_ =	shalt  }
0x54: {  	_ =	shalt  }
0x55: {  	_ =	shalt  }
0x56: {  	_ =	shalt  }
0x57: {  	_ =	shalt  }
0x58: {  	_ =	shalt  }
0x59: {  	_ =	shalt  }
0x5a: {  	_ =	shalt  }
0x5b: {  	_ =	shalt  }
0x5c: {  	_ =	shalt  }
0x5d: {  	_ =	shalt  }
0x5e: {  	_ =	shalt  }
0x5f: {  	_ =	shalt  }
0x60: {  	_ =	shalt  }
0x61: {  	_ =	shalt  }
0x62: {  	_ =	shalt  }
0x63: {  	_ =	shalt  }
0x64: {  	_ =	shalt  }
0x65: {  	_ =	shalt  }
0x66: {  	_ =	shalt  }
0x67: {  	_ =	shalt  }
0x68: {  	_ =	shalt  }
0x69: {  	_ =	shalt  }
0x6a: {  	_ =	shalt  }
0x6b: {  	_ =	shalt  }
0x6c: {  	_ =	shalt  }
0x6d: {  	_ =	shalt  }
0x6e: {  	_ =	shalt  }
0x6f: {  	_ =	shalt  }
0x70: {  	_ =	shalt  }
0x71: {  	_ =	shalt  }
0x72: {  	_ =	shalt  }
0x73: {  	_ =	shalt  }
0x74: {  	_ =	shalt  }
0x75: {  	_ =	shalt  }
0x76: {  	_ =	shalt  }
0x77: {  	_ =	shalt  }
0x78: {  	_ =	shalt  }
0x79: {  	_ =	shalt  }
0x7a: {  	_ =	shalt  }
0x7b: {  	_ =	shalt  }
0x7c: {  	_ =	shalt  }
0x7d: {  	_ =	shalt  }
0x7e: {  	_ =	shalt  }
0x7f: {  	_ =	shalt  }
0x80: {  	_ =	shalt  }
0x81: {  	_ =	shalt  }
0x82: {  	_ =	shalt  }
0x83: {  	_ =	shalt  }
0x84: {  	_ =	shalt  }
0x85: {  	_ =	shalt  }
0x86: {  	_ =	shalt  }
0x87: {  	_ =	shalt  }
.Lfunc_end0:
.L_simem_size_0:
called_computation.1_lowered:
.L_overlay_start_0:
0x88: {  	s2 =	sld [smem:$0x3FD9]  }
0x89: {  	s3 =	sld [smem:$0x3FFE];
	_ =	sdelay $0x1  }
0x8a: {  	s1 =	srdreg.scid  }
0x8b: {  	s0 =	sand.u32 $0x1, s1  }
0x8c: {  	s17 =	sshll.u32 s0, $0xA;
	s2 =	sadd.s32 s3, s2  }
0x8d: {  	s2 =	sadd.s32 s2, s17  }
0x8e: {  	[smem:$0x3FC1] =	sst s2  }
0x8f: {  	_ = 	snop  }
0x90: {  	s18 =	sld [smem:$0x3FC9]  }
0x91: {  	s4 =	sld [smem:$0x3FC7];
	(tm) =	ssettm $0x1  }
0x92: {  	s19 =	sld [smem:$0x3FFB];
	_ =	sdelay $0x3  }
0x93: {  	_ =	strace s19  }
0x94: {  	s2 =	sld [smem:$0x3FFC];
	_ =	sdelay $0x3  }
0x95: {  	_ =	strace s2  }
0x96: {  	s2 =	sld [smem:$0x3FFD];
	_ =	sdelay $0x3  }
0x97: {  	_ =	strace s2  }
0x98: {  	_ =	strace $0x8FFFFFFF  }
0x99: {  	s20 =	sld [smem:$0x3FDB];
	_ =	sdelay $0x1  }
0x9a: {  	s5 =	simm.s32 $_scs_section_size  }
0x9b: {  	s6 =	simm.s32 $_size__tile_overlayer_lowered;
	s7 =	simm.s32 $_tile_overlayer_lowered  }
0x9c: {  	s8 =	simm.s32 $0x1BFF;
	s21 =	sshll.u32 s7, $0x1;
	s5 =	sadd.s32 s5, s20  }
0x9d: {  	s22 =	simm.s32 $0x0;
	s6 =	sshll.u32 s6, $0x1;
	s7 =	sadd.s32 s21, s5  }
0x9e: {  	[timem:s22], [sflag:s8] =	dma.local [hbm:s7], s6  }
0x9f: {  	_ =	swait.ge [sflag:s8], s6  }
0xa0: {  	s6 =	ssub.s32 $0x0, s6;
	[sflag:s8] =	ssyncset.done $0x0  }
0xa1: {  	[sflag:s8] =	ssyncadd.s32 s6;
	_ =	sdelay $0x1  }
0xa2: {  	s23 =	simm.s32 $0x1B8B  }
0xa3: {  	_ =	swait.ge [sflag:s23], $0x1  }
0xa4: {  	[sflag:s23] =	ssyncset.done $0x0  }
0xa5: {  	[sflag:s23] =	ssyncadd.s32 $0xFFFFFFFF  }
0xa6: {  	s6 =	sld [smem:$0x0]  }
0xa7: {  	s7 =	sand.u32 $0xFFFFFFFE, s1  }
0xa8: {  	p0 =	sne.s32 s1, s7  }
0xa9: {  	s7 =	sshll.u32 @p0 s7, $0xE  }
0xaa: {  	s7 =	sadd.s32 @p0 $0x11B8D, s7;
	s8 =	sshll.u32 @p0 s6, $0x11  }
0xab: {  	s7 =	sor.u32 @p0 s8, s7  }
0xac: {  	[sflag:s7] =	ssyncadd.remote.s32 @p0 $0x1;
	_ =	sdelay $0x1  }
0xad: {  	s7 =	simm.s32 @p0 $0x1B8D  }
0xae: {  	_ =	swait.eq @p0 [sflag:s7], $0x1  }
0xaf: {  	[sflag:s7] =	ssyncadd.s32 @p0 $0xFFFFFFFF  }
0xb0: {  	s8 =	sshll.u32 @!p0 s1, $0xE  }
0xb1: {  	s8 =	sor.u32 @!p0 $0x4000, s8;
	s7 =	simm.s32 @!p0 $0x1B8D  }
0xb2: {  	s6 =	sshll.u32 @!p0 s6, $0x11;
	s8 =	sadd.s32 @!p0 $0x11B8D, s8;
	_ =	swait.eq @!p0 [sflag:s7], $0x1  }
0xb3: {  	s6 =	sor.u32 @!p0 s6, s8;
	[sflag:s7] =	ssyncadd.s32 @!p0 $0xFFFFFFFF  }
0xb4: {  	s25 =	simm.s32 $0x1B8E;
	s24 =	sld [smem:$0x3FFE];
	[sflag:s6] =	ssyncadd.remote.s32 @!p0 $0x1  }
0xb5: {  	s26 =	simm.s32 $execute0_lowered;
	[smem:$0x3FD2] =	sst s25  }
0xb6: {  	s7 =	sshll.u32 s26, $0x1;
	_ =	strace $0x80000049;
	[dreg:$0x1] =	wrdreg $0xFFFFFFFF  }
0xb7: {  	s28 =	simm.s32 $_size_execute0_lowered;
	s5 =	sadd.s32 s5, s7;
	[dreg:$0x0] =	wrdreg $0x0  }
0xb8: {  	s7 =	sshll.u32 s28, $0x1;
	[dreg:$0x2] =	wrdreg s5  }
0xb9: {  	[dreg:$0x3] =	wrdreg s7  }
0xba: {  	[dreg:$0x4] =	wrdreg $0xC0  }
0xbb: {  	_ =	task [dreg:s22], $0x5FFFF  }
0xbc: {  	[dreg:$0x1] =	wrdreg $0xFFFFFFFF  }
0xbd: {  	[dreg:$0x0] =	wrdreg $0x60  }
0xbe: {  	[dreg:$0x2] =	wrdreg s18  }
0xbf: {  	[dreg:$0x3] =	wrdreg s4  }
0xc0: {  	[dreg:$0x4] =	wrdreg s24  }
0xc1: {  	[dreg:$0x5] =	wrdreg $0xA  }
0xc2: {  	_ =	task.clear_ibuf [dreg:s22], $0x6FFFF;
	_ =	strace $0x90000049  }
0xc3: {  	s29 =	simm.s32 $0xA;
	_ =	strace $0x8000004B  }
0xc4: {  	_ =	swait.ge [sflag:s29], $0x1  }
0xc5: {  	[sflag:s29] =	ssyncadd.s32 $0xFFFFFFFF  }
0xc6: {  	_ =	strace $0x9000004B  }
0xc7: {  	_ =	sfence  }
0xc8: {  	s30 =	sld [smem:$0x0];
	_ =	sdelay $0x2  }
0xc9: {  	s31 =	sshll.u32 s1, $0xD;
	s1 =	sshrl.u32 s1, $0x2  }
0xca: {  	s4 =	sand.u32 $0x4000, s31;
	s1 =	sadd.s32 s1, s30  }
0xcb: {  	s0 =	sor.u32 s4, s0;
	s1 =	sshll.u32 s1, $0x11  }
0xcc: {  	s0 =	sor.u32 s1, s0  }
0xcd: {  	s0 =	sadd.s32 $0x8F2B, s0  }
0xce: {  	[sflag:s0] =	ssyncadd.remote.s32 $0x1  }
0xcf: {  	_ =	sfence.sel $0xFFFF  }
0xd0: {  	[dreg:$0x0] =	wrdreg $0xFFFFFFFF;
	(pc) =	sbr.abs _section_cstart, $3  }
0xd1: {  	[dreg:$0x1] =	wrdreg $0xFFFFFFFF  }
0xd2: {  	_ =	task.clear_ibuf [dreg:s22], $0x2FFFF;
	_ =	strace $0x9FFFFFFF  }
0xd3: {  	(tm) =	ssettm $0x7FFFFFFF  }
tec
execute0_lowered:
.L_overlay_start_1:
0x0: {  	(tag) =	ssettag $0x1  }
0x1: {  	s1 =	srdreg.scid  }
0x2: {  	s0 =	stileid.u32;
	s4 =	rddreg [dreg:$0x0]  }
0x3: {  	s2 =	rddreg [dreg:$0x1];
	s1 =	sand.u32 $0x1, s1;
	s3 =	sshll.u32 s0, $0x1  }
0x4: {  	s6 =	rddreg [dreg:$0x2];
	s5 =	sor.u32 s1, s3;
	s3 =	simm.s32 $0x0  }
0x5: {  	s20 =	simm.s32 $0x900;
	[smem:$0x7FF] =	sst s3  }
0x6: {  	s21 =	simm.s32 $0x1100;
	_ =	strace $0x8000004A;
	[dreg:$0x8] =	wrdreg s20  }
0x7: {  	s22 =	simm.s32 $0x1900;
	[dreg:$0x9] =	wrdreg s21  }
0x8: {  	s23 =	simm.s32 $0x2100;
	[dreg:$0xa] =	wrdreg s22  }
0x9: {  	s24 =	simm.s32 $0x2900;
	[dreg:$0xb] =	wrdreg s23  }
0xa: {  	s25 =	simm.s32 $0x3100;
	s26 =	simm.s32 $0x3900;
	[dreg:$0xc] =	wrdreg s24  }
0xb: {  	s9 =	simm.s32 $0x6900;
	s10 =	simm.s32 $0x7100;
	[dreg:$0xd] =	wrdreg s25  }
0xc: {  	s8 =	sshll.u32 s0, $0x2;
	s0 =	simm.s32 $0x4100;
	[dreg:$0xe] =	wrdreg s26  }
0xd: {  	s11 =	simm.s32 $0x7900;
	s12 =	simm.s32 $0x8100;
	[dreg:$0xf] =	wrdreg s0  }
0xe: {  	s13 =	simm.s32 $0x8900;
	s14 =	simm.s32 $0x9100;
	[dreg:$0x14] =	wrdreg s9  }
0xf: {  	s28 =	simm.s32 $0x17900;
	s29 =	simm.s32 $0x1;
	[dreg:$0x15] =	wrdreg s10  }
0x10: {  	s30 =	simm.s32 $0x2;
	s31 =	simm.s32 $0x3;
	[dreg:$0x16] =	wrdreg s11  }
0x11: {  	s6 =	sadd.s32 $0x1400, s6;
	s1 =	ssub.s32 $0x2, s1;
	[dreg:$0x17] =	wrdreg s12  }
0x12: {  	s7 =	sshll.u32 s5, $0x6;
	s15 =	smul.u32 $0x18000, s5;
	[dreg:$0x18] =	wrdreg s13  }
0x13: {  	s7 =	sor.u32 s8, s7;
	s8 =	simm.s32 $0x6100;
	[dreg:$0x19] =	wrdreg s14  }
0x14: {  	s5 =	smul.u32 $0x3000, s5;
	s20 =	simm.s32 $0xB900;
	[dreg:$0x13] =	wrdreg s8  }
0x15: {  	s21 =	simm.s32 $0x80;
	s22 =	simm.s32 $0xC900;
	[dreg:$0x1e] =	wrdreg s20  }
0x16: {  	s23 =	simm.s32 $0xD100;
	s24 =	simm.s32 $0xD900;
	[dreg:$0x1f] =	wrdreg s21  }
0x17: {  	s25 =	simm.s32 $0xE100;
	s26 =	simm.s32 $0xE900;
	[smem:$0x7F9] =	sst s22  }
0x18: {  	s9 =	simm.s32 $0xC100;
	s12 =	simm.s32 $0x10100;
	[smem:$0x7FA] =	sst s23  }
0x19: {  	s13 =	simm.s32 $0x10900;
	s14 =	simm.s32 $0x11100;
	[smem:$0x7FB] =	sst s24  }
0x1a: {  	s7 =	sand.u32 $0x1F0, s7;
	s17 =	sadd.s32 s6, s5;
	[smem:$0x7FC] =	sst s25  }
0x1b: {  	s5 =	simm.s32 $0x4900;
	s8 =	simm.s32 $0x100;
	[smem:$0x7FD] =	sst s26  }
0x1c: {  	s20 =	simm.s32 $0x14100;
	s21 =	simm.s32 $0x14900;
	s22 =	simm.s32 $0x15100  }
0x1d: {  	s23 =	simm.s32 $0x15900;
	s4 =	sadd.s32 s7, s4;
	[dreg:$0x6] =	wrdreg s17  }
0x1e: {  	s7 =	sshrl.u32 s15, $0x3;
	[dreg:$0x10] =	wrdreg s5;
	s15 =	simm.s32 $0x9900  }
0x1f: {  	s24 =	simm.s32 $0x16100;
	s17 =	simm.s32 $0xA900;
	[dreg:$0x1a] =	wrdreg s15  }
0x20: {  	s25 =	simm.s32 $0x16900;
	s16 =	sadd.s32 $0x200, s4;
	[dreg:$0x1c] =	wrdreg s17  }
0x21: {  	s26 =	simm.s32 $0x17100;
	s4 =	sadd.s32 $0x208, s4;
	[dreg:$0x4] =	wrdreg s16  }
0x22: {  	s18 =	sadd.s32 s6, s7;
	s6 =	simm.s32 $0x5100;
	[dreg:$0x5] =	wrdreg s4  }
0x23: {  	s5 =	sadd.s32 $0x200, s2;
	s7 =	simm.s32 $0x5900;
	[dreg:$0x11] =	wrdreg s6  }
0x24: {  	s15 =	simm.s32 $0x11900;
	s19 =	sadd.s32 $0x1800, s18;
	[dreg:$0x12] =	wrdreg s7  }
0x25: {  	s17 =	simm.s32 $0x12900;
	s16 =	simm.s32 $0xA100;
	[dreg:$0x7] =	wrdreg s19  }
0x26: {  	s18 =	simm.s32 $0xB100;
	s4 =	sadd.s32 $0x100, s2;
	[dreg:$0x1b] =	wrdreg s16  }
0x27: {  	v2 =	vlaneseq.u32;
	s7 =	simm.s32 $0x5;
	s19 =	sshrl.u32 s1, $0x1;
	[dreg:$0x1d] =	wrdreg s18  }
0x28: {  	vm0 =	vmmov $0xffff;
	v1 =	vshrl.u32 v2, $0x3;
	s16 =	simm.s32 $0x12100;
	s18 =	simm.s32 $0x13100;
	s1 =	ssub.s32 s1, s19  }
0x29: {  	v0 =	vand.u32 $0x7, v2;
	v2 =	vor.u32 $0x8, v2;
	v1 =	vmul.u32 $0x8, v1;
	s19 =	simm.s32 $0x13900;
	s6 =	smax.u32 s1, $0x1;
	s1 =	simm.s32 $0x4  }
.LBB2_1:
0x2a: {  	s0 =	rddreg [dreg:$0x4]  }
0x2b: {  	[tilespmem:s3], [sflag:$0x5] =	stream.linear.gather [hbm4b:s0+s3], $0x40, $0x38;
	[tilespmem:$0x18100] =	vst v63  }
0x2c: {  	_ =	swait.ge [sflag:s7], $0x40  }
0x2d: {  	[sflag:s7] =	ssyncset.done $0x0  }
0x2e: {  	[sflag:s7] =	ssyncadd.s32 $0xFFFFFFC0  }
0x2f: {  	v3 =	vld [tilespmem:$0x0];
	_ =	sdelay $0x4  }
0x30: {  	v4 =	vshrl.u32 v3, $0x3  }
0x31: {  	v4 =	vmul.u32 $0x30, v4  }
0x32: {  	v3 =	vand.u32 $0x7, v3  }
0x33: {  	v3 =	vor.u32 v3, v4  }
0x34: {  	v4 =	vperm.xlane v3, v0;
	_ =	sdelay $0x1  }
0x35: {  	v4 =	vadd.s32 v1, v4;
	_ =	sdelay $0x3  }
0x36: {  	v3 =	vperm.xlane v3, v2  }
0x37: {  	[tilespmem:s8], [sflag:$0x1] =	stream.indirect_vreg.gather [hbm4b:s2+s3], $0x80, v4, vm0, $0xb8;
	[tilespmem:$0x18100] =	vst v63  }
0x38: {  	s11 =	rddreg [dreg:$0x8];
	v3 =	vadd.s32 v1, v3  }
0x39: {  	[tilespmem:s11], [sflag:$0x1] =	stream.indirect_vreg.gather [hbm4b:s4+s3], $0x80, v4, vm0, $0xb8;
	[tilespmem:$0x18100] =	vst v63  }
0x3a: {  	s10 =	rddreg [dreg:$0x9]  }
0x3b: {  	[tilespmem:s10], [sflag:$0x1] =	stream.indirect_vreg.gather [hbm4b:s5+s3], $0x80, v4, vm0, $0xb8;
	[tilespmem:$0x18100] =	vst v63  }
0x3c: {  	s11 =	rddreg [dreg:$0xa]  }
0x3d: {  	[tilespmem:s11], [sflag:$0x1] =	stream.indirect_vreg.gather [hbm4b:s2+s3], $0x80, v3, vm0, $0xb8;
	[tilespmem:$0x18100] =	vst v63  }
0x3e: {  	s10 =	rddreg [dreg:$0xb]  }
0x3f: {  	[tilespmem:s10], [sflag:$0x1] =	stream.indirect_vreg.gather [hbm4b:s4+s3], $0x80, v3, vm0, $0xb8;
	[tilespmem:$0x18100] =	vst v63  }
0x40: {  	s11 =	rddreg [dreg:$0xc]  }
0x41: {  	[tilespmem:s11], [sflag:$0x1] =	stream.indirect_vreg.gather [hbm4b:s5+s3], $0x80, v3, vm0, $0xb8;
	[tilespmem:$0x18100] =	vst v63  }
0x42: {  	v3 =	vld [tilespmem:$0x10];
	_ =	sdelay $0x4  }
0x43: {  	v57 =	vshrl.u32 v3, $0x3  }
0x44: {  	v4 =	vmul.u32 $0x30, v57  }
0x45: {  	v3 =	vand.u32 $0x7, v3  }
0x46: {  	v3 =	vor.u32 v3, v4  }
0x47: {  	v4 =	vperm.xlane v3, v0;
	_ =	sdelay $0x1  }
0x48: {  	v4 =	vadd.s32 v1, v4;
	_ =	sdelay $0x3  }
0x49: {  	s10 =	rddreg [dreg:$0xd];
	v3 =	vperm.xlane v3, v2  }
0x4a: {  	[tilespmem:s10], [sflag:$0x1] =	stream.indirect_vreg.gather [hbm4b:s2+s3], $0x80, v4, vm0, $0xb8;
	[tilespmem:$0x18100] =	vst v63  }
0x4b: {  	s11 =	rddreg [dreg:$0xe];
	v3 =	vadd.s32 v1, v3  }
0x4c: {  	[tilespmem:s11], [sflag:$0x1] =	stream.indirect_vreg.gather [hbm4b:s4+s3], $0x80, v4, vm0, $0xb8;
	[tilespmem:$0x18100] =	vst v63  }
0x4d: {  	s0 =	rddreg [dreg:$0xf]  }
0x4e: {  	[tilespmem:s0], [sflag:$0x1] =	stream.indirect_vreg.gather [hbm4b:s5+s3], $0x80, v4, vm0, $0xb8;
	[tilespmem:$0x18100] =	vst v63  }
0x4f: {  	s11 =	rddreg [dreg:$0x10]  }
0x50: {  	[tilespmem:s11], [sflag:$0x1] =	stream.indirect_vreg.gather [hbm4b:s2+s3], $0x80, v3, vm0, $0xb8;
	[tilespmem:$0x18100] =	vst v63  }
0x51: {  	s0 =	rddreg [dreg:$0x11]  }
0x52: {  	[tilespmem:s0], [sflag:$0x1] =	stream.indirect_vreg.gather [hbm4b:s4+s3], $0x80, v3, vm0, $0xb8;
	[tilespmem:$0x18100] =	vst v63  }
0x53: {  	s11 =	rddreg [dreg:$0x12]  }
0x54: {  	[tilespmem:s11], [sflag:$0x1] =	stream.indirect_vreg.gather [hbm4b:s5+s3], $0x80, v3, vm0, $0xb8;
	[tilespmem:$0x18100] =	vst v63  }
0x55: {  	v3 =	vld [tilespmem:$0x20];
	_ =	sdelay $0x4  }
0x56: {  	v58 =	vshrl.u32 v3, $0x3  }
0x57: {  	v4 =	vmul.u32 $0x30, v58  }
0x58: {  	v3 =	vand.u32 $0x7, v3  }
0x59: {  	v3 =	vor.u32 v3, v4  }
0x5a: {  	v4 =	vperm.xlane v3, v0;
	_ =	sdelay $0x1  }
0x5b: {  	v4 =	vadd.s32 v1, v4;
	_ =	sdelay $0x3  }
0x5c: {  	s10 =	rddreg [dreg:$0x13];
	v3 =	vperm.xlane v3, v2  }
0x5d: {  	[tilespmem:s10], [sflag:$0x1] =	stream.indirect_vreg.gather [hbm4b:s2+s3], $0x80, v4, vm0, $0xb8;
	[tilespmem:$0x18100] =	vst v63  }
0x5e: {  	s11 =	rddreg [dreg:$0x14];
	v3 =	vadd.s32 v1, v3  }
0x5f: {  	[tilespmem:s11], [sflag:$0x1] =	stream.indirect_vreg.gather [hbm4b:s4+s3], $0x80, v4, vm0, $0xb8;
	[tilespmem:$0x18100] =	vst v63  }
0x60: {  	s0 =	rddreg [dreg:$0x15]  }
0x61: {  	[tilespmem:s0], [sflag:$0x1] =	stream.indirect_vreg.gather [hbm4b:s5+s3], $0x80, v4, vm0, $0xb8;
	[tilespmem:$0x18100] =	vst v63  }
0x62: {  	s11 =	rddreg [dreg:$0x16]  }
0x63: {  	[tilespmem:s11], [sflag:$0x1] =	stream.indirect_vreg.gather [hbm4b:s2+s3], $0x80, v3, vm0, $0xb8;
	[tilespmem:$0x18100] =	vst v63  }
0x64: {  	s0 =	rddreg [dreg:$0x17]  }
0x65: {  	[tilespmem:s0], [sflag:$0x1] =	stream.indirect_vreg.gather [hbm4b:s4+s3], $0x80, v3, vm0, $0xb8;
	[tilespmem:$0x18100] =	vst v63  }
0x66: {  	s11 =	rddreg [dreg:$0x18]  }
0x67: {  	[tilespmem:s11], [sflag:$0x1] =	stream.indirect_vreg.gather [hbm4b:s5+s3], $0x80, v3, vm0, $0xb8;
	[tilespmem:$0x18100] =	vst v63  }
0x68: {  	v3 =	vld [tilespmem:$0x30];
	_ =	sdelay $0x4  }
0x69: {  	v59 =	vshrl.u32 v3, $0x3  }
0x6a: {  	v4 =	vmul.u32 $0x30, v59  }
0x6b: {  	v3 =	vand.u32 $0x7, v3  }
0x6c: {  	v3 =	vor.u32 v3, v4  }
0x6d: {  	v4 =	vperm.xlane v3, v0;
	_ =	sdelay $0x1  }
0x6e: {  	v4 =	vadd.s32 v1, v4;
	_ =	sdelay $0x2  }
0x6f: {  	s10 =	rddreg [dreg:$0x1a]  }
0x70: {  	s11 =	rddreg [dreg:$0x19];
	v3 =	vperm.xlane v3, v2  }
0x71: {  	[tilespmem:s11], [sflag:$0x1] =	stream.indirect_vreg.gather [hbm4b:s2+s3], $0x80, v4, vm0, $0xb8;
	[tilespmem:$0x18100] =	vst v63  }
0x72: {  	s0 =	rddreg [dreg:$0x1e];
	v3 =	vadd.s32 v1, v3  }
0x73: {  	[tilespmem:s10], [sflag:$0x1] =	stream.indirect_vreg.gather [hbm4b:s4+s3], $0x80, v4, vm0, $0xb8;
	[tilespmem:$0x18100] =	vst v63  }
0x74: {  	s11 =	rddreg [dreg:$0x1b]  }
0x75: {  	[tilespmem:s11], [sflag:$0x1] =	stream.indirect_vreg.gather [hbm4b:s5+s3], $0x80, v4, vm0, $0xb8;
	[tilespmem:$0x18100] =	vst v63  }
0x76: {  	s10 =	rddreg [dreg:$0x1c]  }
0x77: {  	[tilespmem:s10], [sflag:$0x1] =	stream.indirect_vreg.gather [hbm4b:s2+s3], $0x80, v3, vm0, $0xb8;
	[tilespmem:$0x18100] =	vst v63  }
0x78: {  	s11 =	rddreg [dreg:$0x1d]  }
0x79: {  	[tilespmem:s11], [sflag:$0x1] =	stream.indirect_vreg.gather [hbm4b:s4+s3], $0x80, v3, vm0, $0xb8;
	[tilespmem:$0x18100] =	vst v63  }
0x7a: {  	s10 =	rddreg [dreg:$0x5]  }
0x7b: {  	[tilespmem:s0], [sflag:$0x1] =	stream.indirect_vreg.gather [hbm4b:s5+s3], $0x80, v3, vm0, $0xb8;
	[tilespmem:$0x18100] =	vst v63  }
0x7c: {  	s11 =	rddreg [dreg:$0x1f]  }
0x7d: {  	[tilespmem:s11], [sflag:$0x5] =	stream.linear.gather [hbm4b:s10+s3], $0x40, $0x38;
	[tilespmem:$0x18100] =	vst v63  }
0x7e: {  	_ =	swait.ge [sflag:s7], $0x40  }
0x7f: {  	[sflag:s7] =	ssyncset.done $0x0  }
0x80: {  	[sflag:s7] =	ssyncadd.s32 $0xFFFFFFC0  }
0x81: {  	v3 =	vld [tilespmem:$0x80];
	_ =	sdelay $0x4  }
0x82: {  	v60 =	vshrl.u32 v3, $0x3  }
0x83: {  	v4 =	vmul.u32 $0x30, v60  }
0x84: {  	v3 =	vand.u32 $0x7, v3  }
0x85: {  	v3 =	vor.u32 v3, v4  }
0x86: {  	v4 =	vperm.xlane v3, v0;
	_ =	sdelay $0x1  }
0x87: {  	v4 =	vadd.s32 v1, v4;
	_ =	sdelay $0x3  }
0x88: {  	s11 =	sld [smem:$0x7F9];
	v3 =	vperm.xlane v3, v2  }
0x89: {  	[tilespmem:s9], [sflag:$0x2] =	stream.indirect_vreg.gather [hbm4b:s2+s3], $0x80, v4, vm0, $0xb8;
	[tilespmem:$0x18100] =	vst v63  }
0x8a: {  	s10 =	sld [smem:$0x7FA];
	v3 =	vadd.s32 v1, v3  }
0x8b: {  	[tilespmem:s11], [sflag:$0x2] =	stream.indirect_vreg.gather [hbm4b:s4+s3], $0x80, v4, vm0, $0xb8;
	[tilespmem:$0x18100] =	vst v63  }
0x8c: {  	s11 =	sld [smem:$0x7FB]  }
0x8d: {  	[tilespmem:s10], [sflag:$0x2] =	stream.indirect_vreg.gather [hbm4b:s5+s3], $0x80, v4, vm0, $0xb8;
	[tilespmem:$0x18100] =	vst v63  }
0x8e: {  	s10 =	sld [smem:$0x7FC]  }
0x8f: {  	[tilespmem:s11], [sflag:$0x2] =	stream.indirect_vreg.gather [hbm4b:s2+s3], $0x80, v3, vm0, $0xb8;
	[tilespmem:$0x18100] =	vst v63  }
0x90: {  	s11 =	sld [smem:$0x7FD]  }
0x91: {  	[tilespmem:s10], [sflag:$0x2] =	stream.indirect_vreg.gather [hbm4b:s4+s3], $0x80, v3, vm0, $0xb8;
	[tilespmem:$0x18100] =	vst v63  }
0x92: {  	_ = 	snop  }
0x93: {  	[tilespmem:s11], [sflag:$0x2] =	stream.indirect_vreg.gather [hbm4b:s5+s3], $0x80, v3, vm0, $0xb8;
	[tilespmem:$0x18100] =	vst v63  }
0x94: {  	v3 =	vld [tilespmem:$0x90];
	_ =	sdelay $0x4  }
0x95: {  	v61 =	vshrl.u32 v3, $0x3  }
0x96: {  	v4 =	vmul.u32 $0x30, v61  }
0x97: {  	v3 =	vand.u32 $0x7, v3  }
0x98: {  	v3 =	vor.u32 v3, v4  }
0x99: {  	v4 =	vperm.xlane v3, v0;
	_ =	sdelay $0x1  }
0x9a: {  	v4 =	vadd.s32 v1, v4;
	_ =	sdelay $0x3  }
0x9b: {  	s10 =	simm.s32 $0xF100;
	v3 =	vperm.xlane v3, v2  }
0x9c: {  	[tilespmem:s10], [sflag:$0x2] =	stream.indirect_vreg.gather [hbm4b:s2+s3], $0x80, v4, vm0, $0xb8;
	[tilespmem:$0x18100] =	vst v63  }
0x9d: {  	s11 =	simm.s32 $0xF900;
	v3 =	vadd.s32 v1, v3  }
0x9e: {  	[tilespmem:s11], [sflag:$0x2] =	stream.indirect_vreg.gather [hbm4b:s4+s3], $0x80, v4, vm0, $0xb8;
	[tilespmem:$0x18100] =	vst v63  }
0x9f: {  	_ = 	snop  }
0xa0: {  	[tilespmem:s12], [sflag:$0x2] =	stream.indirect_vreg.gather [hbm4b:s5+s3], $0x80, v4, vm0, $0xb8;
	[tilespmem:$0x18100] =	vst v63  }
0xa1: {  	_ = 	snop  }
0xa2: {  	[tilespmem:s13], [sflag:$0x2] =	stream.indirect_vreg.gather [hbm4b:s2+s3], $0x80, v3, vm0, $0xb8;
	[tilespmem:$0x18100] =	vst v63  }
0xa3: {  	_ = 	snop  }
0xa4: {  	[tilespmem:s14], [sflag:$0x2] =	stream.indirect_vreg.gather [hbm4b:s4+s3], $0x80, v3, vm0, $0xb8;
	[tilespmem:$0x18100] =	vst v63  }
0xa5: {  	_ = 	snop  }
0xa6: {  	[tilespmem:s15], [sflag:$0x2] =	stream.indirect_vreg.gather [hbm4b:s5+s3], $0x80, v3, vm0, $0xb8;
	[tilespmem:$0x18100] =	vst v63  }
0xa7: {  	v3 =	vld [tilespmem:$0xA0];
	_ =	sdelay $0x4  }
0xa8: {  	v62 =	vshrl.u32 v3, $0x3  }
0xa9: {  	v4 =	vmul.u32 $0x30, v62  }
0xaa: {  	v3 =	vand.u32 $0x7, v3  }
0xab: {  	v3 =	vor.u32 v3, v4  }
0xac: {  	v4 =	vperm.xlane v3, v0;
	_ =	sdelay $0x1  }
0xad: {  	v4 =	vadd.s32 v1, v4;
	_ =	sdelay $0x3  }
0xae: {  	v3 =	vperm.xlane v3, v2  }
0xaf: {  	[tilespmem:s16], [sflag:$0x2] =	stream.indirect_vreg.gather [hbm4b:s2+s3], $0x80, v4, vm0, $0xb8;
	[tilespmem:$0x18100] =	vst v63  }
0xb0: {  	v3 =	vadd.s32 v1, v3  }
0xb1: {  	[tilespmem:s17], [sflag:$0x2] =	stream.indirect_vreg.gather [hbm4b:s4+s3], $0x80, v4, vm0, $0xb8;
	[tilespmem:$0x18100] =	vst v63  }
0xb2: {  	_ = 	snop  }
0xb3: {  	[tilespmem:s18], [sflag:$0x2] =	stream.indirect_vreg.gather [hbm4b:s5+s3], $0x80, v4, vm0, $0xb8;
	[tilespmem:$0x18100] =	vst v63  }
0xb4: {  	_ = 	snop  }
0xb5: {  	[tilespmem:s19], [sflag:$0x2] =	stream.indirect_vreg.gather [hbm4b:s2+s3], $0x80, v3, vm0, $0xb8;
	[tilespmem:$0x18100] =	vst v63  }
0xb6: {  	_ = 	snop  }
0xb7: {  	[tilespmem:s20], [sflag:$0x2] =	stream.indirect_vreg.gather [hbm4b:s4+s3], $0x80, v3, vm0, $0xb8;
	[tilespmem:$0x18100] =	vst v63  }
0xb8: {  	_ = 	snop  }
0xb9: {  	[tilespmem:s21], [sflag:$0x2] =	stream.indirect_vreg.gather [hbm4b:s5+s3], $0x80, v3, vm0, $0xb8;
	[tilespmem:$0x18100] =	vst v63  }
0xba: {  	v3 =	vld [tilespmem:$0xB0];
	_ =	sdelay $0x4  }
0xbb: {  	v63 =	vshrl.u32 v3, $0x3  }
0xbc: {  	v4 =	vmul.u32 $0x30, v63  }
0xbd: {  	v3 =	vand.u32 $0x7, v3  }
0xbe: {  	v3 =	vor.u32 v3, v4  }
0xbf: {  	v4 =	vperm.xlane v3, v0;
	_ =	sdelay $0x1  }
0xc0: {  	v4 =	vadd.s32 v1, v4;
	_ =	sdelay $0x3  }
0xc1: {  	v3 =	vperm.xlane v3, v2  }
0xc2: {  	[tilespmem:s22], [sflag:$0x2] =	stream.indirect_vreg.gather [hbm4b:s2+s3], $0x80, v4, vm0, $0xb8;
	[tilespmem:$0x18100] =	vst v63  }
0xc3: {  	v3 =	vadd.s32 v1, v3  }
0xc4: {  	[tilespmem:s23], [sflag:$0x2] =	stream.indirect_vreg.gather [hbm4b:s4+s3], $0x80, v4, vm0, $0xb8;
	[tilespmem:$0x18100] =	vst v63  }
0xc5: {  	_ = 	snop  }
0xc6: {  	[tilespmem:s24], [sflag:$0x2] =	stream.indirect_vreg.gather [hbm4b:s5+s3], $0x80, v4, vm0, $0xb8;
	[tilespmem:$0x18100] =	vst v63  }
0xc7: {  	_ = 	snop  }
0xc8: {  	[tilespmem:s25], [sflag:$0x2] =	stream.indirect_vreg.gather [hbm4b:s2+s3], $0x80, v3, vm0, $0xb8;
	[tilespmem:$0x18100] =	vst v63  }
0xc9: {  	_ = 	snop  }
0xca: {  	[tilespmem:s26], [sflag:$0x2] =	stream.indirect_vreg.gather [hbm4b:s4+s3], $0x80, v3, vm0, $0xb8;
	[tilespmem:$0x18100] =	vst v63  }
0xcb: {  	_ = 	snop  }
0xcc: {  	[tilespmem:s28], [sflag:$0x2] =	stream.indirect_vreg.gather [hbm4b:s5+s3], $0x80, v3, vm0, $0xb8;
	[tilespmem:$0x18100] =	vst v63  }
0xcd: {  	_ =	swait.ge [sflag:s29], $0xC000  }
0xce: {  	[sflag:s29] =	ssyncset.done $0x0  }
0xcf: {  	s10 =	rddreg [dreg:$0x6];
	[sflag:s29] =	ssyncadd.s32 $0xFFFF4000  }
0xd0: {  	[hbm4b:s10+s3] =	stream.linear.scatter [tilespmem:s8], [sflag:$0x3], $0xC000, $0x38;
	[tilespmem:$0x18100] =	vst v63  }
0xd1: {  	_ =	swait.ge [sflag:s30], $0xC000  }
0xd2: {  	[sflag:s30] =	ssyncset.done $0x0  }
0xd3: {  	s11 =	rddreg [dreg:$0x7];
	[sflag:s30] =	ssyncadd.s32 $0xFFFF4000  }
0xd4: {  	[hbm4b:s11+s3] =	stream.linear.scatter [tilespmem:s9], [sflag:$0x4], $0xC000, $0x38;
	[tilespmem:$0x18100] =	vst v63  }
0xd5: {  	p0 =	sne.s32 s6, $0x1;
	_ =	swait.ge [sflag:s31], $0xC000  }
.Ltmp0:
0xd6: {  	[sflag:s31] =	ssyncset.done $0x0;
	(pc) =	sbr.rel @p0 .LBB2_1-.Ltmp0, $4  }
0xd7: {  	[sflag:s31] =	ssyncadd.s32 $0xFFFF4000  }
0xd8: {  	_ =	swait.ge [sflag:s1], $0xC000  }
0xd9: {  	[sflag:s1] =	ssyncset.done $0x0  }
0xda: {  	s6 =	sadd.s32 $0xFFFFFFFF, s6;
	[sflag:s1] =	ssyncadd.s32 $0xFFFF4000  }
0xdb: {  	_ =	sfence.sel $0x180000  }
0xdc: {  	[bflag:$0x0] =	sbarrier.arrive $0xFFFF  }
0xdd: {  	_ =	strace $0x9000004A  }
0xde: {  	s0 =	stileid.u32;
	[bflag:$0x2] =	sbarrier.arrive $0xFFFF  }
0xdf: {  	p0 =	sne.s32 s0, $0x0;
	s0 =	rddreg [dreg:$0x3]  }
0xe0: {  	s0 =	sadd.s32 @!p0 $0x100000, s0  }
0xe1: {  	[sflag:s0] =	ssyncadd.tile.s32 @!p0 $0x1;
	_ =	shalt  }
.Lfunc_end2:
_tile_overlayer_lowered:
.L_overlay_start_2:
0xe2: {  	(tag) =	ssettag $0x2  }
0xe3: {  	s0 =	rddreg [dreg:$0x0];
	s2 =	stileid.u32  }
0xe4: {  	s1 =	rddreg [dreg:$0x1];
	p0 =	sne.s32 s2, $0x0  }
0xe5: {  	s3 =	rddreg [dreg:$0x2];
	[bflag:$0x3] =	sbarrier.arrive $0xFFFF;
	s2 =	simm.s32 @!p0 $0x1C05  }
0xe6: {  	[timem:s3], [sflag:s2] =	dma.local @!p0 [hbm:s0], s1  }
0xe7: {  	s0 =	simm.s32 @!p0 $0x5  }
0xe8: {  	_ =	swait.ge @!p0 [sflag:s0], s1  }
0xe9: {  	s1 =	ssub.s32 @!p0 $0x0, s1;
	[sflag:s0] =	ssyncset.done @!p0 $0x0  }
0xea: {  	[sflag:s0] =	ssyncadd.s32 @!p0 s1  }
0xeb: {  	[bflag:$0x3] =	sbarrier.arrive $0xFFFF  }
0xec: {  	_ =	shalt  }

</sc_bundles>
